<compile_context>
chip_gen: v7x
topology: tpu7x:2x2x1
jax: 0.10.2.dev20260603
libtpu: 0.0.44.dev20260713+nightly
codegen_flags: <defaults>
</compile_context>

<pallas_src>
import functools

import jax
import jax.numpy as jnp
from jax import lax
from jax.experimental import pallas as pl
from jax.experimental.pallas import tpu as pltpu
from jax.experimental.pallas import tpu_sc as plsc

N = 10000
D = 128
N_GRAPHS = 128
N_CLASSES = 10
E = 320000

NC = 2
NS = 16
NW = NC * NS
L = 16

N_PAD = 10240
TB = 1024
CH = 50
EC = 200
SLAB = 40
RPT = N_PAD // NS
DEG_SLAB = 2000

_mesh = plsc.VectorSubcoreMesh(core_axis_name="c", subcore_axis_name="s")


@functools.partial(
    pl.kernel,
    out_type=jax.ShapeDtypeStruct((NW, N_PAD), jnp.float32),
    mesh=_mesh,
    scratch_types=[
        pltpu.VMEM((DEG_SLAB,), jnp.int32),
        pltpu.VMEM((N_PAD,), jnp.float32),
    ],
    compiler_params=pltpu.CompilerParams(needs_layout_passes=False),
)
def _deg_kernel(dst_hbm, out_hbm, idx_v, hist_v):
    c = lax.axis_index("c")
    s = lax.axis_index("s")
    w = s * NC + c

    zeros = jnp.zeros((L,), jnp.float32)

    def _zero(i, carry):
        for k in range(8):
            hist_v[pl.ds(i * 8 * L + k * L, L)] = zeros
        return carry

    lax.fori_loop(0, N_PAD // (8 * L), _zero, 0)

    ones = jnp.ones((L,), jnp.float32)

    def _slab(si, carry):
        pltpu.sync_copy(dst_hbm.at[w].at[si], idx_v)

        def _accum(i, c2):
            for k in range(5):
                idx = idx_v[pl.ds(i * 5 * L + k * L, L)]
                plsc.addupdate_scatter(hist_v, [idx], ones)
            return c2

        lax.fori_loop(0, DEG_SLAB // (5 * L), _accum, 0)
        return carry

    lax.fori_loop(0, (EC * CH) // DEG_SLAB, _slab, 0)
    pltpu.sync_copy(hist_v, out_hbm.at[w])


def _tc1_body(x_ref, w_ref, hist_ref, hn_ref, dinv_ref):
    deg = jnp.sum(hist_ref[...], axis=0) + 1.0
    dinv = lax.rsqrt(deg)
    h = jnp.dot(x_ref[...], w_ref[...], preferred_element_type=jnp.float32)
    hn_ref[...] = h * dinv[:, None]
    dinv_ref[...] = dinv[:, None]


def _tc1(x_pad, W, hist):
    return pl.pallas_call(
        _tc1_body,
        grid=(N_PAD // TB,),
        in_specs=[
            pl.BlockSpec((TB, D), lambda j: (j, 0)),
            pl.BlockSpec((D, D), lambda j: (0, 0)),
            pl.BlockSpec((NW, TB), lambda j: (0, j)),
        ],
        out_specs=[
            pl.BlockSpec((TB, D), lambda j: (j, 0)),
            pl.BlockSpec((TB, 1), lambda j: (j, 0)),
        ],
        out_shape=[
            jax.ShapeDtypeStruct((N_PAD, D), jnp.float32),
            jax.ShapeDtypeStruct((N_PAD, 1), jnp.float32),
        ],
    )(x_pad, W, hist)


@functools.partial(
    pl.kernel,
    out_type=jax.ShapeDtypeStruct((NC, N_PAD, D), jnp.float32),
    mesh=_mesh,
    scratch_types=[
        pltpu.VMEM((SLAB, CH), jnp.int32),
        pltpu.VMEM((SLAB, CH), jnp.int32),
        pltpu.VMEM((CH, D), jnp.float32),
        pltpu.VMEM((CH, D), jnp.float32),
        pltpu.VMEM((CH, D), jnp.float32),
        pltpu.VMEM((CH, D), jnp.float32),
        pltpu.VMEM((CH, D), jnp.float32),
        pltpu.VMEM_SHARED((N_PAD, D), jnp.float32),
        pltpu.SemaphoreType.DMA,
        pltpu.SemaphoreType.DMA,
        pltpu.SemaphoreType.DMA,
        pltpu.SemaphoreType.DMA,
        pltpu.SemaphoreType.DMA,
        pltpu.SemaphoreType.DMA,
        pltpu.SemaphoreType.DMA,
        pltpu.SemaphoreType.DMA,
        pltpu.SemaphoreType.DMA,
        pltpu.SemaphoreType.DMA,
    ],
    compiler_params=pltpu.CompilerParams(needs_layout_passes=False),
)
def _agg_kernel(src_hbm, dst_hbm, hn_hbm, out_hbm,
                src_v, dst_v, r0, r1, r2, r3, r4, acc_sh,
                gs0, gs1, gs2, gs3, gs4, ss0, ss1, ss2, ss3, ss4):
    rows = (r0, r1, r2, r3, r4)
    gsem = (gs0, gs1, gs2, gs3, gs4)
    ssem = (ss0, ss1, ss2, ss3, ss4)
    c = lax.axis_index("c")
    s = lax.axis_index("s")
    w = s * NC + c
    base = s * RPT

    @pl.when(c == 0)
    def _():
        pltpu.sync_copy(hn_hbm.at[pl.ds(base, RPT)],
                        acc_sh.at[pl.ds(base, RPT)])

    @pl.when(c == 1)
    def _():
        zeros = jnp.zeros((L,), jnp.float32)

        def _zbuf(i, carry):
            r0[i // (D // L), pl.ds((i % (D // L)) * L, L)] = zeros
            return carry

        lax.fori_loop(0, CH * (D // L), _zbuf, 0)

        def _zacc(i, carry):
            pltpu.sync_copy(r0.at[pl.ds(0, 40)],
                            acc_sh.at[pl.ds(base + i * 40, 40)])
            return carry

        lax.fori_loop(0, RPT // 40, _zacc, 0)

    plsc.subcore_barrier()

    def _wait_scatter(bi):
        pltpu.make_async_copy(rows[bi], acc_sh.at[dst_v.at[0]],
                              ssem[bi]).wait()

    def _wait_gather(bi):
        pltpu.make_async_copy(hn_hbm.at[src_v.at[0]], rows[bi],
                              gsem[bi]).wait()

    def _slab(si, carry):
        pltpu.sync_copy(src_hbm.at[w].at[pl.ds(si * SLAB, SLAB)], src_v)
        pltpu.sync_copy(dst_hbm.at[w].at[pl.ds(si * SLAB, SLAB)], dst_v)
        for b in range(3):
            pltpu.async_copy(hn_hbm.at[src_v.at[b]], rows[b], gsem[b])

        def _grp(g, c2):
            for b in range(5):
                lk = 5 * g + b
                nb = (b + 3) % 5
                if b >= 2:
                    _wait_scatter(nb)
                else:
                    @pl.when(g >= 1)
                    def _():
                        _wait_scatter(nb)
                if b >= 2:
                    @pl.when(g < SLAB // 5 - 1)
                    def _():
                        pltpu.async_copy(hn_hbm.at[src_v.at[lk + 3]],
                                         rows[nb], gsem[nb])
                else:
                    pltpu.async_copy(hn_hbm.at[src_v.at[lk + 3]],
                                     rows[nb], gsem[nb])
                _wait_gather(b)
                pltpu.async_copy(rows[b], acc_sh.at[dst_v.at[lk]],
                                 ssem[b], add=True)
            return c2

        lax.fori_loop(0, SLAB // 5, _grp, 0)
        _wait_scatter(3)
        _wait_scatter(4)
        return carry

    lax.fori_loop(0, EC // SLAB, _slab, 0)
    plsc.subcore_barrier()
    pltpu.sync_copy(acc_sh.at[pl.ds(base, RPT)],
                    out_hbm.at[c].at[pl.ds(base, RPT)])


def _tc2_body(p0_ref, p1_ref, dinv_ref, batch_ref, b_ref,
              wc_ref, bc_ref, out_ref, acc_ref, cnt_ref):
    j = pl.program_id(0)

    @pl.when(j == 0)
    def _():
        acc_ref[...] = jnp.zeros_like(acc_ref)
        cnt_ref[...] = jnp.zeros_like(cnt_ref)

    dinv = dinv_ref[...]
    act = jnp.maximum(
        dinv * (p0_ref[...] + p1_ref[...]) + b_ref[...], 0.0)
    gid = batch_ref[...]
    valid = (lax.broadcasted_iota(jnp.int32, (TB, 1), 0) + j * TB) < N
    act = jnp.where(valid, act, 0.0)
    onehot = jnp.where(
        valid,
        (gid == lax.broadcasted_iota(jnp.int32, (1, N_GRAPHS), 1)
         ).astype(jnp.float32),
        0.0)
    acc_ref[...] += lax.dot_general(
        onehot, act, (((0,), (0,)), ((), ())),
        preferred_element_type=jnp.float32)
    cnt_ref[...] += lax.dot_general(
        onehot, jnp.ones_like(act), (((0,), (0,)), ((), ())),
        preferred_element_type=jnp.float32)

    @pl.when(j == pl.num_programs(0) - 1)
    def _():
        pooled = acc_ref[...] / jnp.maximum(cnt_ref[...], 1.0)
        out_ref[...] = (
            jnp.dot(pooled, wc_ref[...], preferred_element_type=jnp.float32)
            + bc_ref[...])


def _tc2(p0, p1, dinv, batch_pad, b, wc_pad, bc_pad):
    return pl.pallas_call(
        _tc2_body,
        grid=(N_PAD // TB,),
        in_specs=[
            pl.BlockSpec((TB, D), lambda j: (j, 0)),
            pl.BlockSpec((TB, D), lambda j: (j, 0)),
            pl.BlockSpec((TB, 1), lambda j: (j, 0)),
            pl.BlockSpec((TB, 1), lambda j: (j, 0)),
            pl.BlockSpec((1, D), lambda j: (0, 0)),
            pl.BlockSpec((D, D), lambda j: (0, 0)),
            pl.BlockSpec((1, D), lambda j: (0, 0)),
        ],
        out_specs=pl.BlockSpec((N_GRAPHS, D), lambda j: (0, 0)),
        out_shape=jax.ShapeDtypeStruct((N_GRAPHS, D), jnp.float32),
        scratch_shapes=[
            pltpu.VMEM((N_GRAPHS, D), jnp.float32),
            pltpu.VMEM((N_GRAPHS, D), jnp.float32),
        ],
    )(p0, p1, dinv, batch_pad, b, wc_pad, bc_pad)


def kernel(x, edge_index, batch, W, b, W_cls, b_cls):
    src_ch = edge_index[0].reshape(NW, EC, CH)
    dst_ch = edge_index[1].reshape(NW, EC, CH)
    dst_deg = edge_index[1].reshape(NW, (EC * CH) // DEG_SLAB, DEG_SLAB)

    batch2d = batch.reshape(N, 1)
    wc_pad = jnp.zeros((D, D), jnp.float32).at[:, :N_CLASSES].set(W_cls)
    bc_pad = jnp.zeros((1, D), jnp.float32).at[0, :N_CLASSES].set(b_cls)

    hist = _deg_kernel(dst_deg)
    hn, dinv = _tc1(x, W, hist)
    partials = _agg_kernel(src_ch, dst_ch, hn)
    logits_pad = _tc2(partials[0], partials[1], dinv, batch2d,
                      b.reshape(1, D), wc_pad, bc_pad)
    return logits_pad[:, :N_CLASSES]

# --- scband reference (transcript-rebuilt; emitter-appended) ---
"""Pipeline reference for scband-module-executor-2491081031681 (READ-ONLY COPY).

The authoritative reference and input builder live on the scoring server;
editing this copy changes nothing except your own understanding.
"""

import jax, jax.numpy as jnp
import numpy as np

N_NODES = 10000
N_EDGES = 320000
D_IN = 128
D_HID = 128
N_CLASSES = 10
N_GRAPHS = 128


def setup_inputs(seed: int = 0) -> dict:
    key = jax.random.key(seed)
    ks = jax.random.split(key, 7)
    x = jax.random.normal(ks[0], (N_NODES, D_IN), dtype=jnp.float32)
    edge_index = jax.random.randint(ks[1], (2, N_EDGES), 0, N_NODES, dtype=jnp.int32)
    batch = jnp.sort(jax.random.randint(ks[2], (N_NODES,), 0, N_GRAPHS, dtype=jnp.int32))
    W = jax.random.normal(ks[3], (D_IN, D_HID), dtype=jnp.float32) * 0.05
    b = jnp.zeros((D_HID,), dtype=jnp.float32)
    W_cls = jax.random.normal(ks[4], (D_HID, N_CLASSES), dtype=jnp.float32) * 0.05
    b_cls = jnp.zeros((N_CLASSES,), dtype=jnp.float32)
    return {"x": x, "edge_index": edge_index, "batch": batch, "W": W, "b": b, "W_cls": W_cls, "b_cls": b_cls}


def reference(x, edge_index, batch, W, b, W_cls, b_cls):
    N = x.shape[0]
    # GCNConv encoder: h = D^{-1/2} (A + I) D^{-1/2} X W + b
    h = x @ W
    loop = jnp.arange(N, dtype=edge_index.dtype)
    src = jnp.concatenate([edge_index[0], loop])
    dst = jnp.concatenate([edge_index[1], loop])
    deg = jnp.zeros((N,), x.dtype).at[dst].add(1.0)
    dinv = jnp.where(deg > 0, 1.0 / jnp.sqrt(deg), 0.0)
    norm = dinv[src] * dinv[dst]
    msg = h[src] * norm[:, None]
    agg = jnp.zeros((N, h.shape[1]), x.dtype).at[dst].add(msg) + b
    # ReLU; dropout is identity in eval mode
    act = jax.nn.relu(agg)
    # global_mean_pool over batch assignment
    pooled_sum = jax.ops.segment_sum(act, batch, num_segments=N_GRAPHS)
    cnt = jax.ops.segment_sum(jnp.ones((N,), x.dtype), batch, num_segments=N_GRAPHS)
    pooled = pooled_sum / jnp.maximum(cnt, 1.0)[:, None]
    # classifier
    logits = pooled @ W_cls + b_cls
    return logits

if __name__ == "__main__":
    import jax
    _d = setup_inputs()
    print(jax.jit(kernel)(*tuple(_d.values())))

</pallas_src>

<mosaic_0001>
#map = affine_map<(d0, d1) -> (0, 0, 0)>
#map1 = affine_map<(d0, d1) -> (0, 0)>
module attributes {stable_mosaic.version = 14 : i64} {
  func.func @_deg_kernel(%arg0: i32, %arg1: i32, %arg2: memref<32x5x2000xi32, #tpu.memory_space<hbm>>, %arg3: memref<32x10240xf32, #tpu.memory_space<hbm>>, %arg4: memref<2000xi32, #tpu.memory_space<vmem>>, %arg5: memref<10240xf32, #tpu.memory_space<vmem>>) attributes {dimension_semantics = [#tpu.dimension_semantics<core_parallel>, #tpu.dimension_semantics<subcore_parallel>], iteration_bounds = array<i64: 2, 16>, scalar_prefetch = 0 : i64, scratch_operands = 2 : i64, tpu.core_type = #tpu.core_type<sc_vector_subcore>, window_params = [{transform_indices = #map}, {transform_indices = #map1}]} {
    %mul3A = arith.constant 2 : i32
    %mul3A_0 = arith.muli %arg1, %mul3A : i32
    %add3A = arith.addi %mul3A_0, %arg0 : i32
    %broadcast_in_dim3A = arith.constant 0.000000e+00 : f32
    %broadcast_in_dim3A_1 = vector.broadcast %broadcast_in_dim3A : f32 to vector<16xf32>
    %scan3A = arith.constant 0 : i32
    %scan3A_2 = arith.constant 0 : i32
    %scan3A_3 = arith.constant 80 : i32
    %scan3A_4 = arith.addi %scan3A_2, %scan3A_3 : i32
    %scan3A_5 = arith.constant 1 : i32
    scf.for %scan3A_15 = %scan3A_2 to %scan3A_4 step %scan3A_5  : i32 {
      %mul3A_16 = arith.constant 8 : i32
      %mul3A_17 = arith.muli %scan3A_15, %mul3A_16 : i32
      %mul3A_18 = arith.constant 16 : i32
      %mul3A_19 = arith.muli %mul3A_17, %mul3A_18 : i32
      %add3A_20 = arith.constant 0 : i32
      %add3A_21 = arith.addi %mul3A_19, %add3A_20 : i32
      %swap3A = arith.index_cast %add3A_21 : i32 to index
      %swap3A_22 = tpu.vector_load %arg5[%swap3A] {strides = array<i32>} : memref<10240xf32, #tpu.memory_space<vmem>>, vector<16xf32>,
      tpu.vector_store %arg5[%swap3A], %broadcast_in_dim3A_1 {strides = array<i32>} : memref<10240xf32, #tpu.memory_space<vmem>>, vector<16xf32>,
      %mul3A_23 = arith.constant 8 : i32
      %mul3A_24 = arith.muli %scan3A_15, %mul3A_23 : i32
      %mul3A_25 = arith.constant 16 : i32
      %mul3A_26 = arith.muli %mul3A_24, %mul3A_25 : i32
      %add3A_27 = arith.constant 16 : i32
      %add3A_28 = arith.addi %mul3A_26, %add3A_27 : i32
      %swap3A_29 = arith.index_cast %add3A_28 : i32 to index
      %swap3A_30 = tpu.vector_load %arg5[%swap3A_29] {strides = array<i32>} : memref<10240xf32, #tpu.memory_space<vmem>>, vector<16xf32>,
      tpu.vector_store %arg5[%swap3A_29], %broadcast_in_dim3A_1 {strides = array<i32>} : memref<10240xf32, #tpu.memory_space<vmem>>, vector<16xf32>,
      %mul3A_31 = arith.constant 8 : i32
      %mul3A_32 = arith.muli %scan3A_15, %mul3A_31 : i32
      %mul3A_33 = arith.constant 16 : i32
      %mul3A_34 = arith.muli %mul3A_32, %mul3A_33 : i32
      %add3A_35 = arith.constant 32 : i32
      %add3A_36 = arith.addi %mul3A_34, %add3A_35 : i32
      %swap3A_37 = arith.index_cast %add3A_36 : i32 to index
      %swap3A_38 = tpu.vector_load %arg5[%swap3A_37] {strides = array<i32>} : memref<10240xf32, #tpu.memory_space<vmem>>, vector<16xf32>,
      tpu.vector_store %arg5[%swap3A_37], %broadcast_in_dim3A_1 {strides = array<i32>} : memref<10240xf32, #tpu.memory_space<vmem>>, vector<16xf32>,
      %mul3A_39 = arith.constant 8 : i32
      %mul3A_40 = arith.muli %scan3A_15, %mul3A_39 : i32
      %mul3A_41 = arith.constant 16 : i32
      %mul3A_42 = arith.muli %mul3A_40, %mul3A_41 : i32
      %add3A_43 = arith.constant 48 : i32
      %add3A_44 = arith.addi %mul3A_42, %add3A_43 : i32
      %swap3A_45 = arith.index_cast %add3A_44 : i32 to index
      %swap3A_46 = tpu.vector_load %arg5[%swap3A_45] {strides = array<i32>} : memref<10240xf32, #tpu.memory_space<vmem>>, vector<16xf32>,
      tpu.vector_store %arg5[%swap3A_45], %broadcast_in_dim3A_1 {strides = array<i32>} : memref<10240xf32, #tpu.memory_space<vmem>>, vector<16xf32>,
      %mul3A_47 = arith.constant 8 : i32
      %mul3A_48 = arith.muli %scan3A_15, %mul3A_47 : i32
      %mul3A_49 = arith.constant 16 : i32
      %mul3A_50 = arith.muli %mul3A_48, %mul3A_49 : i32
      %add3A_51 = arith.constant 64 : i32
      %add3A_52 = arith.addi %mul3A_50, %add3A_51 : i32
      %swap3A_53 = arith.index_cast %add3A_52 : i32 to index
      %swap3A_54 = tpu.vector_load %arg5[%swap3A_53] {strides = array<i32>} : memref<10240xf32, #tpu.memory_space<vmem>>, vector<16xf32>,
      tpu.vector_store %arg5[%swap3A_53], %broadcast_in_dim3A_1 {strides = array<i32>} : memref<10240xf32, #tpu.memory_space<vmem>>, vector<16xf32>,
      %mul3A_55 = arith.constant 8 : i32
      %mul3A_56 = arith.muli %scan3A_15, %mul3A_55 : i32
      %mul3A_57 = arith.constant 16 : i32
      %mul3A_58 = arith.muli %mul3A_56, %mul3A_57 : i32
      %add3A_59 = arith.constant 80 : i32
      %add3A_60 = arith.addi %mul3A_58, %add3A_59 : i32
      %swap3A_61 = arith.index_cast %add3A_60 : i32 to index
      %swap3A_62 = tpu.vector_load %arg5[%swap3A_61] {strides = array<i32>} : memref<10240xf32, #tpu.memory_space<vmem>>, vector<16xf32>,
      tpu.vector_store %arg5[%swap3A_61], %broadcast_in_dim3A_1 {strides = array<i32>} : memref<10240xf32, #tpu.memory_space<vmem>>, vector<16xf32>,
      %mul3A_63 = arith.constant 8 : i32
      %mul3A_64 = arith.muli %scan3A_15, %mul3A_63 : i32
      %mul3A_65 = arith.constant 16 : i32
      %mul3A_66 = arith.muli %mul3A_64, %mul3A_65 : i32
      %add3A_67 = arith.constant 96 : i32
      %add3A_68 = arith.addi %mul3A_66, %add3A_67 : i32
      %swap3A_69 = arith.index_cast %add3A_68 : i32 to index
      %swap3A_70 = tpu.vector_load %arg5[%swap3A_69] {strides = array<i32>} : memref<10240xf32, #tpu.memory_space<vmem>>, vector<16xf32>,
      tpu.vector_store %arg5[%swap3A_69], %broadcast_in_dim3A_1 {strides = array<i32>} : memref<10240xf32, #tpu.memory_space<vmem>>, vector<16xf32>,
      %mul3A_71 = arith.constant 8 : i32
      %mul3A_72 = arith.muli %scan3A_15, %mul3A_71 : i32
      %mul3A_73 = arith.constant 16 : i32
      %mul3A_74 = arith.muli %mul3A_72, %mul3A_73 : i32
      %add3A_75 = arith.constant 112 : i32
      %add3A_76 = arith.addi %mul3A_74, %add3A_75 : i32
      %swap3A_77 = arith.index_cast %add3A_76 : i32 to index
      %swap3A_78 = tpu.vector_load %arg5[%swap3A_77] {strides = array<i32>} : memref<10240xf32, #tpu.memory_space<vmem>>, vector<16xf32>,
      tpu.vector_store %arg5[%swap3A_77], %broadcast_in_dim3A_1 {strides = array<i32>} : memref<10240xf32, #tpu.memory_space<vmem>>, vector<16xf32>,
    }
    %scan3A_6 = arith.constant 80 : i32
    %broadcast_in_dim3A_7 = arith.constant 1.000000e+00 : f32
    %broadcast_in_dim3A_8 = vector.broadcast %broadcast_in_dim3A_7 : f32 to vector<16xf32>
    %scan3A_9 = arith.constant 0 : i32
    %scan3A_10 = arith.constant 0 : i32
    %scan3A_11 = arith.constant 5 : i32
    %scan3A_12 = arith.addi %scan3A_10, %scan3A_11 : i32
    %scan3A_13 = arith.constant 1 : i32
    scf.for %scan3A_15 = %scan3A_10 to %scan3A_12 step %scan3A_13  : i32 {
      "tpu.region"() ({
        %run_scoped3A = tpu.sem_alloc : memref<!tpu.dma_semaphore, #tpu.memory_space<semaphore_mem>>
        %dma_start3A = arith.constant 0 : i32
        %dma_start3A_22 = arith.constant 0 : i32
        %dma_start3A_23 = tpu.memref_slice %arg2[%add3A, %dma_start3A, %dma_start3A_22] : memref<32x5x2000xi32, #tpu.memory_space<hbm>> -> memref<1x5x2000xi32, #tpu.memory_space<hbm>>
        %dma_start3A_24 = tpu.memref_squeeze %dma_start3A_23 : memref<1x5x2000xi32, #tpu.memory_space<hbm>> -> memref<5x2000xi32, #tpu.memory_space<hbm>>
        %dma_start3A_25 = arith.constant 0 : i32
        %dma_start3A_26 = tpu.memref_slice %dma_start3A_24[%scan3A_15, %dma_start3A_25] : memref<5x2000xi32, #tpu.memory_space<hbm>> -> memref<1x2000xi32, #tpu.memory_space<hbm>>
        %dma_start3A_27 = tpu.memref_squeeze %dma_start3A_26 : memref<1x2000xi32, #tpu.memory_space<hbm>> -> memref<2000xi32, #tpu.memory_space<hbm>>
        %dma_start3A_28 = arith.constant 0 : i32
        %dma_start3A_29 = arith.constant 0 : i32
        %dma_start3A_30 = tpu.memref_slice %arg2[%add3A, %dma_start3A_28, %dma_start3A_29] : memref<32x5x2000xi32, #tpu.memory_space<hbm>> -> memref<1x5x2000xi32, #tpu.memory_space<hbm>>
        %dma_start3A_31 = tpu.memref_squeeze %dma_start3A_30 : memref<1x5x2000xi32, #tpu.memory_space<hbm>> -> memref<5x2000xi32, #tpu.memory_space<hbm>>
        %dma_start3A_32 = arith.constant 0 : i32
        %dma_start3A_33 = tpu.memref_slice %dma_start3A_31[%scan3A_15, %dma_start3A_32] : memref<5x2000xi32, #tpu.memory_space<hbm>> -> memref<1x2000xi32, #tpu.memory_space<hbm>>
        %dma_start3A_34 = tpu.memref_squeeze %dma_start3A_33 : memref<1x2000xi32, #tpu.memory_space<hbm>> -> memref<2000xi32, #tpu.memory_space<hbm>>
        tpu.enqueue_dma source(%dma_start3A_34 : memref<2000xi32, #tpu.memory_space<hbm>>) target(%arg4 : memref<2000xi32, #tpu.memory_space<vmem>>) target_semaphore(%run_scoped3A : memref<!tpu.dma_semaphore, #tpu.memory_space<semaphore_mem>>)
        %dma_wait3A = arith.constant 0 : i32
        %dma_wait3A_35 = arith.constant 0 : i32
        %dma_wait3A_36 = tpu.memref_slice %arg2[%add3A, %dma_wait3A, %dma_wait3A_35] : memref<32x5x2000xi32, #tpu.memory_space<hbm>> -> memref<1x5x2000xi32, #tpu.memory_space<hbm>>
        %dma_wait3A_37 = tpu.memref_squeeze %dma_wait3A_36 : memref<1x5x2000xi32, #tpu.memory_space<hbm>> -> memref<5x2000xi32, #tpu.memory_space<hbm>>
        %dma_wait3A_38 = arith.constant 0 : i32
        %dma_wait3A_39 = tpu.memref_slice %dma_wait3A_37[%scan3A_15, %dma_wait3A_38] : memref<5x2000xi32, #tpu.memory_space<hbm>> -> memref<1x2000xi32, #tpu.memory_space<hbm>>
        %dma_wait3A_40 = tpu.memref_squeeze %dma_wait3A_39 : memref<1x2000xi32, #tpu.memory_space<hbm>> -> memref<2000xi32, #tpu.memory_space<hbm>>
        %dma_wait3A_41 = arith.constant 0 : i32
        %dma_wait3A_42 = arith.constant 0 : i32
        %dma_wait3A_43 = tpu.memref_slice %arg2[%add3A, %dma_wait3A_41, %dma_wait3A_42] : memref<32x5x2000xi32, #tpu.memory_space<hbm>> -> memref<1x5x2000xi32, #tpu.memory_space<hbm>>
        %dma_wait3A_44 = tpu.memref_squeeze %dma_wait3A_43 : memref<1x5x2000xi32, #tpu.memory_space<hbm>> -> memref<5x2000xi32, #tpu.memory_space<hbm>>
        %dma_wait3A_45 = arith.constant 0 : i32
        %dma_wait3A_46 = tpu.memref_slice %dma_wait3A_44[%scan3A_15, %dma_wait3A_45] : memref<5x2000xi32, #tpu.memory_space<hbm>> -> memref<1x2000xi32, #tpu.memory_space<hbm>>
        %dma_wait3A_47 = tpu.memref_squeeze %dma_wait3A_46 : memref<1x2000xi32, #tpu.memory_space<hbm>> -> memref<2000xi32, #tpu.memory_space<hbm>>
        tpu.wait_dma2 semaphore(%run_scoped3A : memref<!tpu.dma_semaphore, #tpu.memory_space<semaphore_mem>>) src(%dma_wait3A_47 : memref<2000xi32, #tpu.memory_space<hbm>>) dst(%arg4 : memref<2000xi32, #tpu.memory_space<vmem>>)
        tpu.yield
      }) : () -> ()
      %scan3A_16 = arith.constant 0 : i32
      %scan3A_17 = arith.constant 0 : i32
      %scan3A_18 = arith.constant 25 : i32
      %scan3A_19 = arith.addi %scan3A_17, %scan3A_18 : i32
      %scan3A_20 = arith.constant 1 : i32
      scf.for %scan3A_22 = %scan3A_17 to %scan3A_19 step %scan3A_20  : i32 {
        %mul3A_23 = arith.constant 5 : i32
        %mul3A_24 = arith.muli %scan3A_22, %mul3A_23 : i32
        %mul3A_25 = arith.constant 16 : i32
        %mul3A_26 = arith.muli %mul3A_24, %mul3A_25 : i32
        %add3A_27 = arith.constant 0 : i32
        %add3A_28 = arith.addi %mul3A_26, %add3A_27 : i32
        %get3A = arith.index_cast %add3A_28 : i32 to index
        %get3A_29 = tpu.vector_load %arg4[%get3A] {strides = array<i32>} : memref<2000xi32, #tpu.memory_space<vmem>>, vector<16xi32>,
        tpu.vector_store_idx %arg5[%get3A_29], %broadcast_in_dim3A_8 {add = true} : memref<10240xf32, #tpu.memory_space<vmem>>[vector<16xi32>], vector<16xf32>,
        %mul3A_30 = arith.constant 5 : i32
        %mul3A_31 = arith.muli %scan3A_22, %mul3A_30 : i32
        %mul3A_32 = arith.constant 16 : i32
        %mul3A_33 = arith.muli %mul3A_31, %mul3A_32 : i32
        %add3A_34 = arith.constant 16 : i32
        %add3A_35 = arith.addi %mul3A_33, %add3A_34 : i32
        %get3A_36 = arith.index_cast %add3A_35 : i32 to index
        %get3A_37 = tpu.vector_load %arg4[%get3A_36] {strides = array<i32>} : memref<2000xi32, #tpu.memory_space<vmem>>, vector<16xi32>,
        tpu.vector_store_idx %arg5[%get3A_37], %broadcast_in_dim3A_8 {add = true} : memref<10240xf32, #tpu.memory_space<vmem>>[vector<16xi32>], vector<16xf32>,
        %mul3A_38 = arith.constant 5 : i32
        %mul3A_39 = arith.muli %scan3A_22, %mul3A_38 : i32
        %mul3A_40 = arith.constant 16 : i32
        %mul3A_41 = arith.muli %mul3A_39, %mul3A_40 : i32
        %add3A_42 = arith.constant 32 : i32
        %add3A_43 = arith.addi %mul3A_41, %add3A_42 : i32
        %get3A_44 = arith.index_cast %add3A_43 : i32 to index
        %get3A_45 = tpu.vector_load %arg4[%get3A_44] {strides = array<i32>} : memref<2000xi32, #tpu.memory_space<vmem>>, vector<16xi32>,
        tpu.vector_store_idx %arg5[%get3A_45], %broadcast_in_dim3A_8 {add = true} : memref<10240xf32, #tpu.memory_space<vmem>>[vector<16xi32>], vector<16xf32>,
        %mul3A_46 = arith.constant 5 : i32
        %mul3A_47 = arith.muli %scan3A_22, %mul3A_46 : i32
        %mul3A_48 = arith.constant 16 : i32
        %mul3A_49 = arith.muli %mul3A_47, %mul3A_48 : i32
        %add3A_50 = arith.constant 48 : i32
        %add3A_51 = arith.addi %mul3A_49, %add3A_50 : i32
        %get3A_52 = arith.index_cast %add3A_51 : i32 to index
        %get3A_53 = tpu.vector_load %arg4[%get3A_52] {strides = array<i32>} : memref<2000xi32, #tpu.memory_space<vmem>>, vector<16xi32>,
        tpu.vector_store_idx %arg5[%get3A_53], %broadcast_in_dim3A_8 {add = true} : memref<10240xf32, #tpu.memory_space<vmem>>[vector<16xi32>], vector<16xf32>,
        %mul3A_54 = arith.constant 5 : i32
        %mul3A_55 = arith.muli %scan3A_22, %mul3A_54 : i32
        %mul3A_56 = arith.constant 16 : i32
        %mul3A_57 = arith.muli %mul3A_55, %mul3A_56 : i32
        %add3A_58 = arith.constant 64 : i32
        %add3A_59 = arith.addi %mul3A_57, %add3A_58 : i32
        %get3A_60 = arith.index_cast %add3A_59 : i32 to index
        %get3A_61 = tpu.vector_load %arg4[%get3A_60] {strides = array<i32>} : memref<2000xi32, #tpu.memory_space<vmem>>, vector<16xi32>,
        tpu.vector_store_idx %arg5[%get3A_61], %broadcast_in_dim3A_8 {add = true} : memref<10240xf32, #tpu.memory_space<vmem>>[vector<16xi32>], vector<16xf32>,
      }
      %scan3A_21 = arith.constant 25 : i32
    }
    %scan3A_14 = arith.constant 5 : i32
    "tpu.region"() ({
      %run_scoped3A = tpu.sem_alloc : memref<!tpu.dma_semaphore, #tpu.memory_space<semaphore_mem>>
      %dma_start3A = arith.constant 0 : i32
      %dma_start3A_15 = tpu.memref_slice %arg3[%add3A, %dma_start3A] : memref<32x10240xf32, #tpu.memory_space<hbm>> -> memref<1x10240xf32, #tpu.memory_space<hbm>>
      %dma_start3A_16 = tpu.memref_squeeze %dma_start3A_15 : memref<1x10240xf32, #tpu.memory_space<hbm>> -> memref<10240xf32, #tpu.memory_space<hbm>>
      %dma_start3A_17 = arith.constant 0 : i32
      %dma_start3A_18 = tpu.memref_slice %arg3[%add3A, %dma_start3A_17] : memref<32x10240xf32, #tpu.memory_space<hbm>> -> memref<1x10240xf32, #tpu.memory_space<hbm>>
      %dma_start3A_19 = tpu.memref_squeeze %dma_start3A_18 : memref<1x10240xf32, #tpu.memory_space<hbm>> -> memref<10240xf32, #tpu.memory_space<hbm>>
      tpu.enqueue_dma source(%arg5 : memref<10240xf32, #tpu.memory_space<vmem>>) target(%dma_start3A_19 : memref<10240xf32, #tpu.memory_space<hbm>>) target_semaphore(%run_scoped3A : memref<!tpu.dma_semaphore, #tpu.memory_space<semaphore_mem>>)
      %dma_wait3A = arith.constant 0 : i32
      %dma_wait3A_20 = tpu.memref_slice %arg3[%add3A, %dma_wait3A] : memref<32x10240xf32, #tpu.memory_space<hbm>> -> memref<1x10240xf32, #tpu.memory_space<hbm>>
      %dma_wait3A_21 = tpu.memref_squeeze %dma_wait3A_20 : memref<1x10240xf32, #tpu.memory_space<hbm>> -> memref<10240xf32, #tpu.memory_space<hbm>>
      %dma_wait3A_22 = arith.constant 0 : i32
      %dma_wait3A_23 = tpu.memref_slice %arg3[%add3A, %dma_wait3A_22] : memref<32x10240xf32, #tpu.memory_space<hbm>> -> memref<1x10240xf32, #tpu.memory_space<hbm>>
      %dma_wait3A_24 = tpu.memref_squeeze %dma_wait3A_23 : memref<1x10240xf32, #tpu.memory_space<hbm>> -> memref<10240xf32, #tpu.memory_space<hbm>>
      tpu.wait_dma2 semaphore(%run_scoped3A : memref<!tpu.dma_semaphore, #tpu.memory_space<semaphore_mem>>) src(%arg5 : memref<10240xf32, #tpu.memory_space<vmem>>) dst(%dma_wait3A_24 : memref<10240xf32, #tpu.memory_space<hbm>>)
      tpu.yield
    }) : () -> ()
    return
  }
}

#map = affine_map<(d0, d1) -> (0, 0, 0)>
#map1 = affine_map<(d0, d1) -> (0, 0)>
module attributes {stable_mosaic.version = 14 : i64} {
  func.func @_agg_kernel(%arg0: i32, %arg1: i32, %arg2: memref<32x200x50xi32, #tpu.memory_space<hbm>>, %arg3: memref<32x200x50xi32, #tpu.memory_space<hbm>>, %arg4: memref<10240x128xf32, #tpu.memory_space<hbm>>, %arg5: memref<2x10240x128xf32, #tpu.memory_space<hbm>>, %arg6: memref<40x50xi32, #tpu.memory_space<vmem>>, %arg7: memref<40x50xi32, #tpu.memory_space<vmem>>, %arg8: memref<50x128xf32, #tpu.memory_space<vmem>>, %arg9: memref<50x128xf32, #tpu.memory_space<vmem>>, %arg10: memref<50x128xf32, #tpu.memory_space<vmem>>, %arg11: memref<50x128xf32, #tpu.memory_space<vmem>>, %arg12: memref<50x128xf32, #tpu.memory_space<vmem>>, %arg13: memref<10240x128xf32, #tpu.memory_space<vmem_shared>>, %arg14: memref<!tpu.dma_semaphore, #tpu.memory_space<semaphore_mem>>, %arg15: memref<!tpu.dma_semaphore, #tpu.memory_space<semaphore_mem>>, %arg16: memref<!tpu.dma_semaphore, #tpu.memory_space<semaphore_mem>>, %arg17: memref<!tpu.dma_semaphore, #tpu.memory_space<semaphore_mem>>, %arg18: memref<!tpu.dma_semaphore, #tpu.memory_space<semaphore_mem>>, %arg19: memref<!tpu.dma_semaphore, #tpu.memory_space<semaphore_mem>>, %arg20: memref<!tpu.dma_semaphore, #tpu.memory_space<semaphore_mem>>, %arg21: memref<!tpu.dma_semaphore, #tpu.memory_space<semaphore_mem>>, %arg22: memref<!tpu.dma_semaphore, #tpu.memory_space<semaphore_mem>>, %arg23: memref<!tpu.dma_semaphore, #tpu.memory_space<semaphore_mem>>) attributes {dimension_semantics = [#tpu.dimension_semantics<core_parallel>, #tpu.dimension_semantics<subcore_parallel>], iteration_bounds = array<i64: 2, 16>, scalar_prefetch = 0 : i64, scratch_operands = 18 : i64, tpu.core_type = #tpu.core_type<sc_vector_subcore>, window_params = [{transform_indices = #map}, {transform_indices = #map}, {transform_indices = #map1}, {transform_indices = #map}]} {
    %mul3A = arith.constant 2 : i32
    %mul3A_0 = arith.muli %arg1, %mul3A : i32
    %add3A = arith.addi %mul3A_0, %arg0 : i32
    %mul3A_1 = arith.constant 640 : i32
    %mul3A_2 = arith.muli %arg1, %mul3A_1 : i32
    %eq3A = arith.constant 0 : i32
    %eq3A_3 = arith.cmpi eq, %arg0, %eq3A : i32
    %convert_element_type3A = arith.extui %eq3A_3 : i1 to i32
    %cond3A = arith.constant 0 : i32
    %cond3A_4 = arith.cmpi ne, %convert_element_type3A, %cond3A : i32
    scf.if %cond3A_4 {
      "tpu.region"() ({
        %run_scoped3A = tpu.sem_alloc : memref<!tpu.dma_semaphore, #tpu.memory_space<semaphore_mem>>
        %dma_start3A = arith.constant 0 : i32
        %dma_start3A_16 = tpu.memref_slice %arg13[%mul3A_2, %dma_start3A] : memref<10240x128xf32, #tpu.memory_space<vmem_shared>> -> memref<640x128xf32, #tpu.memory_space<vmem_shared>>
        %dma_start3A_17 = arith.constant 0 : i32
        %dma_start3A_18 = tpu.memref_slice %arg4[%mul3A_2, %dma_start3A_17] : memref<10240x128xf32, #tpu.memory_space<hbm>> -> memref<640x128xf32, #tpu.memory_space<hbm>>
        tpu.enqueue_dma source(%dma_start3A_18 : memref<640x128xf32, #tpu.memory_space<hbm>>) target(%dma_start3A_16 : memref<640x128xf32, #tpu.memory_space<vmem_shared>>) target_semaphore(%run_scoped3A : memref<!tpu.dma_semaphore, #tpu.memory_space<semaphore_mem>>)
        %dma_wait3A = arith.constant 0 : i32
        %dma_wait3A_19 = tpu.memref_slice %arg13[%mul3A_2, %dma_wait3A] : memref<10240x128xf32, #tpu.memory_space<vmem_shared>> -> memref<640x128xf32, #tpu.memory_space<vmem_shared>>
        %dma_wait3A_20 = arith.constant 0 : i32
        %dma_wait3A_21 = tpu.memref_slice %arg4[%mul3A_2, %dma_wait3A_20] : memref<10240x128xf32, #tpu.memory_space<hbm>> -> memref<640x128xf32, #tpu.memory_space<hbm>>
        tpu.wait_dma2 semaphore(%run_scoped3A : memref<!tpu.dma_semaphore, #tpu.memory_space<semaphore_mem>>) src(%dma_wait3A_21 : memref<640x128xf32, #tpu.memory_space<hbm>>) dst(%dma_wait3A_19 : memref<640x128xf32, #tpu.memory_space<vmem_shared>>)
        tpu.yield
      }) : () -> ()
    } else {
    }
    %eq3A_5 = arith.constant 1 : i32
    %eq3A_6 = arith.cmpi eq, %arg0, %eq3A_5 : i32
    %convert_element_type3A_7 = arith.extui %eq3A_6 : i1 to i32
    %cond3A_8 = arith.constant 0 : i32
    %cond3A_9 = arith.cmpi ne, %convert_element_type3A_7, %cond3A_8 : i32
    scf.if %cond3A_9 {
      %broadcast_in_dim3A = arith.constant 0.000000e+00 : f32
      %broadcast_in_dim3A_16 = vector.broadcast %broadcast_in_dim3A : f32 to vector<16xf32>
      %scan3A_17 = arith.constant 0 : i32
      %scan3A_18 = arith.constant 0 : i32
      %scan3A_19 = arith.constant 400 : i32
      %scan3A_20 = arith.addi %scan3A_18, %scan3A_19 : i32
      %scan3A_21 = arith.constant 1 : i32
      scf.for %scan3A_29 = %scan3A_18 to %scan3A_20 step %scan3A_21  : i32 {
        %jit3A = arith.constant 8 : i32
        %div3A = arith.divsi %scan3A_29, %jit3A : i32
        %sign3A = arith.constant 0 : i32
        %sign3A_30 = arith.cmpi sgt, %scan3A_29, %sign3A : i32
        %sign3A_31 = arith.extui %sign3A_30 : i1 to i32
        %sign3A_32 = arith.constant 0 : i32
        %sign3A_33 = arith.cmpi slt, %scan3A_29, %sign3A_32 : i32
        %sign3A_34 = arith.extui %sign3A_33 : i1 to i32
        %sign3A_35 = arith.subi %sign3A_31, %sign3A_34 : i32
        %sign3A_36 = arith.constant 0 : i32
        %sign3A_37 = arith.cmpi sgt, %jit3A, %sign3A_36 : i32
        %sign3A_38 = arith.extui %sign3A_37 : i1 to i32
        %sign3A_39 = arith.constant 0 : i32
        %sign3A_40 = arith.cmpi slt, %jit3A, %sign3A_39 : i32
        %sign3A_41 = arith.extui %sign3A_40 : i1 to i32
        %sign3A_42 = arith.subi %sign3A_38, %sign3A_41 : i32
        %ne3A = arith.cmpi ne, %sign3A_35, %sign3A_42 : i32
        %rem3A = arith.remsi %scan3A_29, %jit3A : i32
        %ne3A_43 = arith.constant 0 : i32
        %ne3A_44 = arith.cmpi ne, %rem3A, %ne3A_43 : i32
        %and3A = arith.andi %ne3A, %ne3A_44 : i1
        %sub3A = arith.constant 1 : i32
        %sub3A_45 = arith.subi %div3A, %sub3A : i32
        %select_n3A = arith.select %and3A, %sub3A_45, %div3A : i32
        %jit3A_46 = arith.constant 8 : i32
        %eq3A_47 = arith.constant 0 : i32
        %eq3A_48 = arith.cmpi eq, %jit3A_46, %eq3A_47 : i32
        %jit3A_49 = arith.constant 1 : i32
        %select_n3A_50 = arith.select %eq3A_48, %jit3A_49, %jit3A_46 : i32
        %rem3A_51 = arith.remsi %scan3A_29, %select_n3A_50 : i32
        %ne3A_52 = arith.constant 0 : i32
        %ne3A_53 = arith.cmpi ne, %rem3A_51, %ne3A_52 : i32
        %lt3A = arith.constant 0 : i32
        %lt3A_54 = arith.cmpi slt, %rem3A_51, %lt3A : i32
        %lt3A_55 = arith.constant 0 : i32
        %lt3A_56 = arith.cmpi slt, %select_n3A_50, %lt3A_55 : i32
        %ne3A_57 = arith.xori %lt3A_54, %lt3A_56 : i1
        %and3A_58 = arith.andi %ne3A_57, %ne3A_53 : i1
        %add3A_59 = arith.addi %rem3A_51, %select_n3A_50 : i32
        %select_n3A_60 = arith.select %and3A_58, %add3A_59, %rem3A_51 : i32
        %mul3A_61 = arith.constant 16 : i32
        %mul3A_62 = arith.muli %select_n3A_60, %mul3A_61 : i32
        %swap3A = arith.index_cast %select_n3A : i32 to index
        %swap3A_63 = arith.index_cast %mul3A_62 : i32 to index
        %swap3A_64 = tpu.vector_load %arg8[%swap3A, %swap3A_63] {strides = array<i32>} : memref<50x128xf32, #tpu.memory_space<vmem>>, vector<16xf32>,
        tpu.vector_store %arg8[%swap3A, %swap3A_63], %broadcast_in_dim3A_16 {strides = array<i32>} : memref<50x128xf32, #tpu.memory_space<vmem>>, vector<16xf32>,
      }
      %scan3A_22 = arith.constant 400 : i32
      %scan3A_23 = arith.constant 0 : i32
      %scan3A_24 = arith.constant 0 : i32
      %scan3A_25 = arith.constant 16 : i32
      %scan3A_26 = arith.addi %scan3A_24, %scan3A_25 : i32
      %scan3A_27 = arith.constant 1 : i32
      scf.for %scan3A_29 = %scan3A_24 to %scan3A_26 step %scan3A_27  : i32 {
        %mul3A_30 = arith.constant 40 : i32
        %mul3A_31 = arith.muli %scan3A_29, %mul3A_30 : i32
        %add3A_32 = arith.addi %mul3A_2, %mul3A_31 : i32
        "tpu.region"() ({
          %run_scoped3A = tpu.sem_alloc : memref<!tpu.dma_semaphore, #tpu.memory_space<semaphore_mem>>
          %dma_start3A = arith.constant 0 : i32
          %dma_start3A_33 = arith.constant 0 : i32
          %dma_start3A_34 = tpu.memref_slice %arg8[%dma_start3A, %dma_start3A_33] : memref<50x128xf32, #tpu.memory_space<vmem>> -> memref<40x128xf32, #tpu.memory_space<vmem>>
          %dma_start3A_35 = arith.constant 0 : i32
          %dma_start3A_36 = tpu.memref_slice %arg13[%add3A_32, %dma_start3A_35] : memref<10240x128xf32, #tpu.memory_space<vmem_shared>> -> memref<40x128xf32, #tpu.memory_space<vmem_shared>>
          %dma_start3A_37 = arith.constant 0 : i32
          %dma_start3A_38 = tpu.memref_slice %arg13[%add3A_32, %dma_start3A_37] : memref<10240x128xf32, #tpu.memory_space<vmem_shared>> -> memref<40x128xf32, #tpu.memory_space<vmem_shared>>
          %dma_start3A_39 = arith.constant 0 : i32
          %dma_start3A_40 = arith.constant 0 : i32
          %dma_start3A_41 = tpu.memref_slice %arg8[%dma_start3A_39, %dma_start3A_40] : memref<50x128xf32, #tpu.memory_space<vmem>> -> memref<40x128xf32, #tpu.memory_space<vmem>>
          tpu.enqueue_dma source(%dma_start3A_41 : memref<40x128xf32, #tpu.memory_space<vmem>>) target(%dma_start3A_38 : memref<40x128xf32, #tpu.memory_space<vmem_shared>>) target_semaphore(%run_scoped3A : memref<!tpu.dma_semaphore, #tpu.memory_space<semaphore_mem>>)
          %dma_wait3A = arith.constant 0 : i32
          %dma_wait3A_42 = arith.constant 0 : i32
          %dma_wait3A_43 = tpu.memref_slice %arg8[%dma_wait3A, %dma_wait3A_42] : memref<50x128xf32, #tpu.memory_space<vmem>> -> memref<40x128xf32, #tpu.memory_space<vmem>>
          %dma_wait3A_44 = arith.constant 0 : i32
          %dma_wait3A_45 = tpu.memref_slice %arg13[%add3A_32, %dma_wait3A_44] : memref<10240x128xf32, #tpu.memory_space<vmem_shared>> -> memref<40x128xf32, #tpu.memory_space<vmem_shared>>
          %dma_wait3A_46 = arith.constant 0 : i32
          %dma_wait3A_47 = tpu.memref_slice %arg13[%add3A_32, %dma_wait3A_46] : memref<10240x128xf32, #tpu.memory_space<vmem_shared>> -> memref<40x128xf32, #tpu.memory_space<vmem_shared>>
          %dma_wait3A_48 = arith.constant 0 : i32
          %dma_wait3A_49 = arith.constant 0 : i32
          %dma_wait3A_50 = tpu.memref_slice %arg8[%dma_wait3A_48, %dma_wait3A_49] : memref<50x128xf32, #tpu.memory_space<vmem>> -> memref<40x128xf32, #tpu.memory_space<vmem>>
          tpu.wait_dma2 semaphore(%run_scoped3A : memref<!tpu.dma_semaphore, #tpu.memory_space<semaphore_mem>>) src(%dma_wait3A_50 : memref<40x128xf32, #tpu.memory_space<vmem>>) dst(%dma_wait3A_47 : memref<40x128xf32, #tpu.memory_space<vmem_shared>>)
          tpu.yield
        }) : () -> ()
      }
      %scan3A_28 = arith.constant 16 : i32
    } else {
    }
    %barrier3A = arith.constant 0 : index
    tpu.barrier barrier_id(%barrier3A)
    %scan3A = arith.constant 0 : i32
    %scan3A_10 = arith.constant 0 : i32
    %scan3A_11 = arith.constant 5 : i32
    %scan3A_12 = arith.addi %scan3A_10, %scan3A_11 : i32
    %scan3A_13 = arith.constant 1 : i32
    scf.for %scan3A_16 = %scan3A_10 to %scan3A_12 step %scan3A_13  : i32 {
      %mul3A_17 = arith.constant 40 : i32
      %mul3A_18 = arith.muli %scan3A_16, %mul3A_17 : i32
      "tpu.region"() ({
        %run_scoped3A = tpu.sem_alloc : memref<!tpu.dma_semaphore, #tpu.memory_space<semaphore_mem>>
        %dma_start3A_60 = arith.constant 0 : i32
        %dma_start3A_61 = arith.constant 0 : i32
        %dma_start3A_62 = tpu.memref_slice %arg2[%add3A, %dma_start3A_60, %dma_start3A_61] : memref<32x200x50xi32, #tpu.memory_space<hbm>> -> memref<1x200x50xi32, #tpu.memory_space<hbm>>
        %dma_start3A_63 = tpu.memref_squeeze %dma_start3A_62 : memref<1x200x50xi32, #tpu.memory_space<hbm>> -> memref<200x50xi32, #tpu.memory_space<hbm>>
        %dma_start3A_64 = arith.constant 0 : i32
        %dma_start3A_65 = tpu.memref_slice %dma_start3A_63[%mul3A_18, %dma_start3A_64] : memref<200x50xi32, #tpu.memory_space<hbm>> -> memref<40x50xi32, #tpu.memory_space<hbm>>
        %dma_start3A_66 = arith.constant 0 : i32
        %dma_start3A_67 = arith.constant 0 : i32
        %dma_start3A_68 = tpu.memref_slice %arg2[%add3A, %dma_start3A_66, %dma_start3A_67] : memref<32x200x50xi32, #tpu.memory_space<hbm>> -> memref<1x200x50xi32, #tpu.memory_space<hbm>>
        %dma_start3A_69 = tpu.memref_squeeze %dma_start3A_68 : memref<1x200x50xi32, #tpu.memory_space<hbm>> -> memref<200x50xi32, #tpu.memory_space<hbm>>
        %dma_start3A_70 = arith.constant 0 : i32
        %dma_start3A_71 = tpu.memref_slice %dma_start3A_69[%mul3A_18, %dma_start3A_70] : memref<200x50xi32, #tpu.memory_space<hbm>> -> memref<40x50xi32, #tpu.memory_space<hbm>>
        tpu.enqueue_dma source(%dma_start3A_71 : memref<40x50xi32, #tpu.memory_space<hbm>>) target(%arg6 : memref<40x50xi32, #tpu.memory_space<vmem>>) target_semaphore(%run_scoped3A : memref<!tpu.dma_semaphore, #tpu.memory_space<semaphore_mem>>)
        %dma_wait3A_72 = arith.constant 0 : i32
        %dma_wait3A_73 = arith.constant 0 : i32
        %dma_wait3A_74 = tpu.memref_slice %arg2[%add3A, %dma_wait3A_72, %dma_wait3A_73] : memref<32x200x50xi32, #tpu.memory_space<hbm>> -> memref<1x200x50xi32, #tpu.memory_space<hbm>>
        %dma_wait3A_75 = tpu.memref_squeeze %dma_wait3A_74 : memref<1x200x50xi32, #tpu.memory_space<hbm>> -> memref<200x50xi32, #tpu.memory_space<hbm>>
        %dma_wait3A_76 = arith.constant 0 : i32
        %dma_wait3A_77 = tpu.memref_slice %dma_wait3A_75[%mul3A_18, %dma_wait3A_76] : memref<200x50xi32, #tpu.memory_space<hbm>> -> memref<40x50xi32, #tpu.memory_space<hbm>>
        %dma_wait3A_78 = arith.constant 0 : i32
        %dma_wait3A_79 = arith.constant 0 : i32
        %dma_wait3A_80 = tpu.memref_slice %arg2[%add3A, %dma_wait3A_78, %dma_wait3A_79] : memref<32x200x50xi32, #tpu.memory_space<hbm>> -> memref<1x200x50xi32, #tpu.memory_space<hbm>>
        %dma_wait3A_81 = tpu.memref_squeeze %dma_wait3A_80 : memref<1x200x50xi32, #tpu.memory_space<hbm>> -> memref<200x50xi32, #tpu.memory_space<hbm>>
        %dma_wait3A_82 = arith.constant 0 : i32
        %dma_wait3A_83 = tpu.memref_slice %dma_wait3A_81[%mul3A_18, %dma_wait3A_82] : memref<200x50xi32, #tpu.memory_space<hbm>> -> memref<40x50xi32, #tpu.memory_space<hbm>>
        tpu.wait_dma2 semaphore(%run_scoped3A : memref<!tpu.dma_semaphore, #tpu.memory_space<semaphore_mem>>) src(%dma_wait3A_83 : memref<40x50xi32, #tpu.memory_space<hbm>>) dst(%arg6 : memref<40x50xi32, #tpu.memory_space<vmem>>)
        tpu.yield
      }) : () -> ()
      %mul3A_19 = arith.constant 40 : i32
      %mul3A_20 = arith.muli %scan3A_16, %mul3A_19 : i32
      "tpu.region"() ({
        %run_scoped3A = tpu.sem_alloc : memref<!tpu.dma_semaphore, #tpu.memory_space<semaphore_mem>>
        %dma_start3A_60 = arith.constant 0 : i32
        %dma_start3A_61 = arith.constant 0 : i32
        %dma_start3A_62 = tpu.memref_slice %arg3[%add3A, %dma_start3A_60, %dma_start3A_61] : memref<32x200x50xi32, #tpu.memory_space<hbm>> -> memref<1x200x50xi32, #tpu.memory_space<hbm>>
        %dma_start3A_63 = tpu.memref_squeeze %dma_start3A_62 : memref<1x200x50xi32, #tpu.memory_space<hbm>> -> memref<200x50xi32, #tpu.memory_space<hbm>>
        %dma_start3A_64 = arith.constant 0 : i32
        %dma_start3A_65 = tpu.memref_slice %dma_start3A_63[%mul3A_20, %dma_start3A_64] : memref<200x50xi32, #tpu.memory_space<hbm>> -> memref<40x50xi32, #tpu.memory_space<hbm>>
        %dma_start3A_66 = arith.constant 0 : i32
        %dma_start3A_67 = arith.constant 0 : i32
        %dma_start3A_68 = tpu.memref_slice %arg3[%add3A, %dma_start3A_66, %dma_start3A_67] : memref<32x200x50xi32, #tpu.memory_space<hbm>> -> memref<1x200x50xi32, #tpu.memory_space<hbm>>
        %dma_start3A_69 = tpu.memref_squeeze %dma_start3A_68 : memref<1x200x50xi32, #tpu.memory_space<hbm>> -> memref<200x50xi32, #tpu.memory_space<hbm>>
        %dma_start3A_70 = arith.constant 0 : i32
        %dma_start3A_71 = tpu.memref_slice %dma_start3A_69[%mul3A_20, %dma_start3A_70] : memref<200x50xi32, #tpu.memory_space<hbm>> -> memref<40x50xi32, #tpu.memory_space<hbm>>
        tpu.enqueue_dma source(%dma_start3A_71 : memref<40x50xi32, #tpu.memory_space<hbm>>) target(%arg7 : memref<40x50xi32, #tpu.memory_space<vmem>>) target_semaphore(%run_scoped3A : memref<!tpu.dma_semaphore, #tpu.memory_space<semaphore_mem>>)
        %dma_wait3A_72 = arith.constant 0 : i32
        %dma_wait3A_73 = arith.constant 0 : i32
        %dma_wait3A_74 = tpu.memref_slice %arg3[%add3A, %dma_wait3A_72, %dma_wait3A_73] : memref<32x200x50xi32, #tpu.memory_space<hbm>> -> memref<1x200x50xi32, #tpu.memory_space<hbm>>
        %dma_wait3A_75 = tpu.memref_squeeze %dma_wait3A_74 : memref<1x200x50xi32, #tpu.memory_space<hbm>> -> memref<200x50xi32, #tpu.memory_space<hbm>>
        %dma_wait3A_76 = arith.constant 0 : i32
        %dma_wait3A_77 = tpu.memref_slice %dma_wait3A_75[%mul3A_20, %dma_wait3A_76] : memref<200x50xi32, #tpu.memory_space<hbm>> -> memref<40x50xi32, #tpu.memory_space<hbm>>
        %dma_wait3A_78 = arith.constant 0 : i32
        %dma_wait3A_79 = arith.constant 0 : i32
        %dma_wait3A_80 = tpu.memref_slice %arg3[%add3A, %dma_wait3A_78, %dma_wait3A_79] : memref<32x200x50xi32, #tpu.memory_space<hbm>> -> memref<1x200x50xi32, #tpu.memory_space<hbm>>
        %dma_wait3A_81 = tpu.memref_squeeze %dma_wait3A_80 : memref<1x200x50xi32, #tpu.memory_space<hbm>> -> memref<200x50xi32, #tpu.memory_space<hbm>>
        %dma_wait3A_82 = arith.constant 0 : i32
        %dma_wait3A_83 = tpu.memref_slice %dma_wait3A_81[%mul3A_20, %dma_wait3A_82] : memref<200x50xi32, #tpu.memory_space<hbm>> -> memref<40x50xi32, #tpu.memory_space<hbm>>
        tpu.wait_dma2 semaphore(%run_scoped3A : memref<!tpu.dma_semaphore, #tpu.memory_space<semaphore_mem>>) src(%dma_wait3A_83 : memref<40x50xi32, #tpu.memory_space<hbm>>) dst(%arg7 : memref<40x50xi32, #tpu.memory_space<vmem>>)
        tpu.yield
      }) : () -> ()
      %dma_start3A = arith.constant 0 : i32
      %dma_start3A_21 = arith.constant 0 : i32
      %dma_start3A_22 = tpu.memref_slice %arg6[%dma_start3A, %dma_start3A_21] : memref<40x50xi32, #tpu.memory_space<vmem>> -> memref<1x50xi32, #tpu.memory_space<vmem>>
      %dma_start3A_23 = tpu.memref_squeeze %dma_start3A_22 : memref<1x50xi32, #tpu.memory_space<vmem>> -> memref<50xi32, #tpu.memory_space<vmem>>
      %dma_start3A_24 = arith.constant 0 : i32
      %dma_start3A_25 = arith.constant 0 : i32
      %dma_start3A_26 = tpu.memref_slice %arg4[%dma_start3A_24, %dma_start3A_25] : memref<10240x128xf32, #tpu.memory_space<hbm>> -> memref<10240x128xf32, #tpu.memory_space<hbm>>
      tpu.enqueue_indirect_dma source(%dma_start3A_26 : memref<10240x128xf32, #tpu.memory_space<hbm>>) target(%arg8 : memref<50x128xf32, #tpu.memory_space<vmem>>) offsets(%dma_start3A_23 : memref<50xi32, #tpu.memory_space<vmem>>) semaphore(%arg14 : memref<!tpu.dma_semaphore, #tpu.memory_space<semaphore_mem>>)
      %dma_start3A_27 = arith.constant 1 : i32
      %dma_start3A_28 = arith.constant 0 : i32
      %dma_start3A_29 = tpu.memref_slice %arg6[%dma_start3A_27, %dma_start3A_28] : memref<40x50xi32, #tpu.memory_space<vmem>> -> memref<1x50xi32, #tpu.memory_space<vmem>>
      %dma_start3A_30 = tpu.memref_squeeze %dma_start3A_29 : memref<1x50xi32, #tpu.memory_space<vmem>> -> memref<50xi32, #tpu.memory_space<vmem>>
      %dma_start3A_31 = arith.constant 0 : i32
      %dma_start3A_32 = arith.constant 0 : i32
      %dma_start3A_33 = tpu.memref_slice %arg4[%dma_start3A_31, %dma_start3A_32] : memref<10240x128xf32, #tpu.memory_space<hbm>> -> memref<10240x128xf32, #tpu.memory_space<hbm>>
      tpu.enqueue_indirect_dma source(%dma_start3A_33 : memref<10240x128xf32, #tpu.memory_space<hbm>>) target(%arg9 : memref<50x128xf32, #tpu.memory_space<vmem>>) offsets(%dma_start3A_30 : memref<50xi32, #tpu.memory_space<vmem>>) semaphore(%arg15 : memref<!tpu.dma_semaphore, #tpu.memory_space<semaphore_mem>>)
      %dma_start3A_34 = arith.constant 2 : i32
      %dma_start3A_35 = arith.constant 0 : i32
      %dma_start3A_36 = tpu.memref_slice %arg6[%dma_start3A_34, %dma_start3A_35] : memref<40x50xi32, #tpu.memory_space<vmem>> -> memref<1x50xi32, #tpu.memory_space<vmem>>
      %dma_start3A_37 = tpu.memref_squeeze %dma_start3A_36 : memref<1x50xi32, #tpu.memory_space<vmem>> -> memref<50xi32, #tpu.memory_space<vmem>>
      %dma_start3A_38 = arith.constant 0 : i32
      %dma_start3A_39 = arith.constant 0 : i32
      %dma_start3A_40 = tpu.memref_slice %arg4[%dma_start3A_38, %dma_start3A_39] : memref<10240x128xf32, #tpu.memory_space<hbm>> -> memref<10240x128xf32, #tpu.memory_space<hbm>>
      tpu.enqueue_indirect_dma source(%dma_start3A_40 : memref<10240x128xf32, #tpu.memory_space<hbm>>) target(%arg10 : memref<50x128xf32, #tpu.memory_space<vmem>>) offsets(%dma_start3A_37 : memref<50xi32, #tpu.memory_space<vmem>>) semaphore(%arg16 : memref<!tpu.dma_semaphore, #tpu.memory_space<semaphore_mem>>)
      %scan3A_41 = arith.constant 0 : i32
      %scan3A_42 = arith.constant 0 : i32
      %scan3A_43 = arith.constant 8 : i32
      %scan3A_44 = arith.addi %scan3A_42, %scan3A_43 : i32
      %scan3A_45 = arith.constant 1 : i32
      scf.for %scan3A_60 = %scan3A_42 to %scan3A_44 step %scan3A_45  : i32 {
        %mul3A_61 = arith.constant 5 : i32
        %mul3A_62 = arith.muli %mul3A_61, %scan3A_60 : i32
        %add3A_63 = arith.constant 0 : i32
        %add3A_64 = arith.addi %mul3A_62, %add3A_63 : i32
        %ge3A = arith.constant 1 : i32
        %ge3A_65 = arith.cmpi sge, %scan3A_60, %ge3A : i32
        %convert_element_type3A_66 = arith.extui %ge3A_65 : i1 to i32
        %cond3A_67 = arith.constant 0 : i32
        %cond3A_68 = arith.cmpi ne, %convert_element_type3A_66, %cond3A_67 : i32
        scf.if %cond3A_68 {
          %dma_wait3A_206 = arith.constant 0 : i32
          %dma_wait3A_207 = arith.constant 0 : i32
          %dma_wait3A_208 = tpu.memref_slice %arg7[%dma_wait3A_206, %dma_wait3A_207] : memref<40x50xi32, #tpu.memory_space<vmem>> -> memref<1x50xi32, #tpu.memory_space<vmem>>
          %dma_wait3A_209 = tpu.memref_squeeze %dma_wait3A_208 : memref<1x50xi32, #tpu.memory_space<vmem>> -> memref<50xi32, #tpu.memory_space<vmem>>
          %dma_wait3A_210 = arith.constant 0 : i32
          %dma_wait3A_211 = arith.constant 0 : i32
          %dma_wait3A_212 = tpu.memref_slice %arg13[%dma_wait3A_210, %dma_wait3A_211] : memref<10240x128xf32, #tpu.memory_space<vmem_shared>> -> memref<10240x128xf32, #tpu.memory_space<vmem_shared>>
          tpu.wait_indirect_dma semaphore(%arg22 : memref<!tpu.dma_semaphore, #tpu.memory_space<semaphore_mem>>) src(%arg11 : memref<50x128xf32, #tpu.memory_space<vmem>>) dst(%dma_wait3A_212 : memref<10240x128xf32, #tpu.memory_space<vmem_shared>>)
        } else {
        }
        %add3A_69 = arith.constant 3 : i32
        %add3A_70 = arith.addi %add3A_64, %add3A_69 : i32
        %dma_start3A_71 = arith.constant 0 : i32
        %dma_start3A_72 = tpu.memref_slice %arg6[%add3A_70, %dma_start3A_71] : memref<40x50xi32, #tpu.memory_space<vmem>> -> memref<1x50xi32, #tpu.memory_space<vmem>>
        %dma_start3A_73 = tpu.memref_squeeze %dma_start3A_72 : memref<1x50xi32, #tpu.memory_space<vmem>> -> memref<50xi32, #tpu.memory_space<vmem>>
        %dma_start3A_74 = arith.constant 0 : i32
        %dma_start3A_75 = arith.constant 0 : i32
        %dma_start3A_76 = tpu.memref_slice %arg4[%dma_start3A_74, %dma_start3A_75] : memref<10240x128xf32, #tpu.memory_space<hbm>> -> memref<10240x128xf32, #tpu.memory_space<hbm>>
        tpu.enqueue_indirect_dma source(%dma_start3A_76 : memref<10240x128xf32, #tpu.memory_space<hbm>>) target(%arg11 : memref<50x128xf32, #tpu.memory_space<vmem>>) offsets(%dma_start3A_73 : memref<50xi32, #tpu.memory_space<vmem>>) semaphore(%arg17 : memref<!tpu.dma_semaphore, #tpu.memory_space<semaphore_mem>>)
        %dma_wait3A_77 = arith.constant 0 : i32
        %dma_wait3A_78 = arith.constant 0 : i32
        %dma_wait3A_79 = tpu.memref_slice %arg6[%dma_wait3A_77, %dma_wait3A_78] : memref<40x50xi32, #tpu.memory_space<vmem>> -> memref<1x50xi32, #tpu.memory_space<vmem>>
        %dma_wait3A_80 = tpu.memref_squeeze %dma_wait3A_79 : memref<1x50xi32, #tpu.memory_space<vmem>> -> memref<50xi32, #tpu.memory_space<vmem>>
        %dma_wait3A_81 = arith.constant 0 : i32
        %dma_wait3A_82 = arith.constant 0 : i32
        %dma_wait3A_83 = tpu.memref_slice %arg4[%dma_wait3A_81, %dma_wait3A_82] : memref<10240x128xf32, #tpu.memory_space<hbm>> -> memref<10240x128xf32, #tpu.memory_space<hbm>>
        tpu.wait_indirect_dma semaphore(%arg14 : memref<!tpu.dma_semaphore, #tpu.memory_space<semaphore_mem>>) src(%dma_wait3A_83 : memref<10240x128xf32, #tpu.memory_space<hbm>>) dst(%arg8 : memref<50x128xf32, #tpu.memory_space<vmem>>)
        %dma_start3A_84 = arith.constant 0 : i32
        %dma_start3A_85 = tpu.memref_slice %arg7[%add3A_64, %dma_start3A_84] : memref<40x50xi32, #tpu.memory_space<vmem>> -> memref<1x50xi32, #tpu.memory_space<vmem>>
        %dma_start3A_86 = tpu.memref_squeeze %dma_start3A_85 : memref<1x50xi32, #tpu.memory_space<vmem>> -> memref<50xi32, #tpu.memory_space<vmem>>
        %dma_start3A_87 = arith.constant 0 : i32
        %dma_start3A_88 = arith.constant 0 : i32
        %dma_start3A_89 = tpu.memref_slice %arg13[%dma_start3A_87, %dma_start3A_88] : memref<10240x128xf32, #tpu.memory_space<vmem_shared>> -> memref<10240x128xf32, #tpu.memory_space<vmem_shared>>
        tpu.enqueue_indirect_dma source(%arg8 : memref<50x128xf32, #tpu.memory_space<vmem>>) target(%dma_start3A_89 : memref<10240x128xf32, #tpu.memory_space<vmem_shared>>) offsets(%dma_start3A_86 : memref<50xi32, #tpu.memory_space<vmem>>) semaphore(%arg19 : memref<!tpu.dma_semaphore, #tpu.memory_space<semaphore_mem>>) {add = true}
        %mul3A_90 = arith.constant 5 : i32
        %mul3A_91 = arith.muli %mul3A_90, %scan3A_60 : i32
        %add3A_92 = arith.constant 1 : i32
        %add3A_93 = arith.addi %mul3A_91, %add3A_92 : i32
        %ge3A_94 = arith.constant 1 : i32
        %ge3A_95 = arith.cmpi sge, %scan3A_60, %ge3A_94 : i32
        %convert_element_type3A_96 = arith.extui %ge3A_95 : i1 to i32
        %cond3A_97 = arith.constant 0 : i32
        %cond3A_98 = arith.cmpi ne, %convert_element_type3A_96, %cond3A_97 : i32
        scf.if %cond3A_98 {
          %dma_wait3A_206 = arith.constant 0 : i32
          %dma_wait3A_207 = arith.constant 0 : i32
          %dma_wait3A_208 = tpu.memref_slice %arg7[%dma_wait3A_206, %dma_wait3A_207] : memref<40x50xi32, #tpu.memory_space<vmem>> -> memref<1x50xi32, #tpu.memory_space<vmem>>
          %dma_wait3A_209 = tpu.memref_squeeze %dma_wait3A_208 : memref<1x50xi32, #tpu.memory_space<vmem>> -> memref<50xi32, #tpu.memory_space<vmem>>
          %dma_wait3A_210 = arith.constant 0 : i32
          %dma_wait3A_211 = arith.constant 0 : i32
          %dma_wait3A_212 = tpu.memref_slice %arg13[%dma_wait3A_210, %dma_wait3A_211] : memref<10240x128xf32, #tpu.memory_space<vmem_shared>> -> memref<10240x128xf32, #tpu.memory_space<vmem_shared>>
          tpu.wait_indirect_dma semaphore(%arg23 : memref<!tpu.dma_semaphore, #tpu.memory_space<semaphore_mem>>) src(%arg12 : memref<50x128xf32, #tpu.memory_space<vmem>>) dst(%dma_wait3A_212 : memref<10240x128xf32, #tpu.memory_space<vmem_shared>>)
        } else {
        }
        %add3A_99 = arith.constant 3 : i32
        %add3A_100 = arith.addi %add3A_93, %add3A_99 : i32
        %dma_start3A_101 = arith.constant 0 : i32
        %dma_start3A_102 = tpu.memref_slice %arg6[%add3A_100, %dma_start3A_101] : memref<40x50xi32, #tpu.memory_space<vmem>> -> memref<1x50xi32, #tpu.memory_space<vmem>>
        %dma_start3A_103 = tpu.memref_squeeze %dma_start3A_102 : memref<1x50xi32, #tpu.memory_space<vmem>> -> memref<50xi32, #tpu.memory_space<vmem>>
        %dma_start3A_104 = arith.constant 0 : i32
        %dma_start3A_105 = arith.constant 0 : i32
        %dma_start3A_106 = tpu.memref_slice %arg4[%dma_start3A_104, %dma_start3A_105] : memref<10240x128xf32, #tpu.memory_space<hbm>> -> memref<10240x128xf32, #tpu.memory_space<hbm>>
        tpu.enqueue_indirect_dma source(%dma_start3A_106 : memref<10240x128xf32, #tpu.memory_space<hbm>>) target(%arg12 : memref<50x128xf32, #tpu.memory_space<vmem>>) offsets(%dma_start3A_103 : memref<50xi32, #tpu.memory_space<vmem>>) semaphore(%arg18 : memref<!tpu.dma_semaphore, #tpu.memory_space<semaphore_mem>>)
        %dma_wait3A_107 = arith.constant 0 : i32
        %dma_wait3A_108 = arith.constant 0 : i32
        %dma_wait3A_109 = tpu.memref_slice %arg6[%dma_wait3A_107, %dma_wait3A_108] : memref<40x50xi32, #tpu.memory_space<vmem>> -> memref<1x50xi32, #tpu.memory_space<vmem>>
        %dma_wait3A_110 = tpu.memref_squeeze %dma_wait3A_109 : memref<1x50xi32, #tpu.memory_space<vmem>> -> memref<50xi32, #tpu.memory_space<vmem>>
        %dma_wait3A_111 = arith.constant 0 : i32
        %dma_wait3A_112 = arith.constant 0 : i32
        %dma_wait3A_113 = tpu.memref_slice %arg4[%dma_wait3A_111, %dma_wait3A_112] : memref<10240x128xf32, #tpu.memory_space<hbm>> -> memref<10240x128xf32, #tpu.memory_space<hbm>>
        tpu.wait_indirect_dma semaphore(%arg15 : memref<!tpu.dma_semaphore, #tpu.memory_space<semaphore_mem>>) src(%dma_wait3A_113 : memref<10240x128xf32, #tpu.memory_space<hbm>>) dst(%arg9 : memref<50x128xf32, #tpu.memory_space<vmem>>)
        %dma_start3A_114 = arith.constant 0 : i32
        %dma_start3A_115 = tpu.memref_slice %arg7[%add3A_93, %dma_start3A_114] : memref<40x50xi32, #tpu.memory_space<vmem>> -> memref<1x50xi32, #tpu.memory_space<vmem>>
        %dma_start3A_116 = tpu.memref_squeeze %dma_start3A_115 : memref<1x50xi32, #tpu.memory_space<vmem>> -> memref<50xi32, #tpu.memory_space<vmem>>
        %dma_start3A_117 = arith.constant 0 : i32
        %dma_start3A_118 = arith.constant 0 : i32
        %dma_start3A_119 = tpu.memref_slice %arg13[%dma_start3A_117, %dma_start3A_118] : memref<10240x128xf32, #tpu.memory_space<vmem_shared>> -> memref<10240x128xf32, #tpu.memory_space<vmem_shared>>
        tpu.enqueue_indirect_dma source(%arg9 : memref<50x128xf32, #tpu.memory_space<vmem>>) target(%dma_start3A_119 : memref<10240x128xf32, #tpu.memory_space<vmem_shared>>) offsets(%dma_start3A_116 : memref<50xi32, #tpu.memory_space<vmem>>) semaphore(%arg20 : memref<!tpu.dma_semaphore, #tpu.memory_space<semaphore_mem>>) {add = true}
        %mul3A_120 = arith.constant 5 : i32
        %mul3A_121 = arith.muli %mul3A_120, %scan3A_60 : i32
        %add3A_122 = arith.constant 2 : i32
        %add3A_123 = arith.addi %mul3A_121, %add3A_122 : i32
        %dma_wait3A_124 = arith.constant 0 : i32
        %dma_wait3A_125 = arith.constant 0 : i32
        %dma_wait3A_126 = tpu.memref_slice %arg7[%dma_wait3A_124, %dma_wait3A_125] : memref<40x50xi32, #tpu.memory_space<vmem>> -> memref<1x50xi32, #tpu.memory_space<vmem>>
        %dma_wait3A_127 = tpu.memref_squeeze %dma_wait3A_126 : memref<1x50xi32, #tpu.memory_space<vmem>> -> memref<50xi32, #tpu.memory_space<vmem>>
        %dma_wait3A_128 = arith.constant 0 : i32
        %dma_wait3A_129 = arith.constant 0 : i32
        %dma_wait3A_130 = tpu.memref_slice %arg13[%dma_wait3A_128, %dma_wait3A_129] : memref<10240x128xf32, #tpu.memory_space<vmem_shared>> -> memref<10240x128xf32, #tpu.memory_space<vmem_shared>>
        tpu.wait_indirect_dma semaphore(%arg19 : memref<!tpu.dma_semaphore, #tpu.memory_space<semaphore_mem>>) src(%arg8 : memref<50x128xf32, #tpu.memory_space<vmem>>) dst(%dma_wait3A_130 : memref<10240x128xf32, #tpu.memory_space<vmem_shared>>)
        %lt3A = arith.constant 7 : i32
        %lt3A_131 = arith.cmpi slt, %scan3A_60, %lt3A : i32
        %convert_element_type3A_132 = arith.extui %lt3A_131 : i1 to i32
        %cond3A_133 = arith.constant 0 : i32
        %cond3A_134 = arith.cmpi ne, %convert_element_type3A_132, %cond3A_133 : i32
        scf.if %cond3A_134 {
          %add3A_206 = arith.constant 3 : i32
          %add3A_207 = arith.addi %add3A_123, %add3A_206 : i32
          %dma_start3A_208 = arith.constant 0 : i32
          %dma_start3A_209 = tpu.memref_slice %arg6[%add3A_207, %dma_start3A_208] : memref<40x50xi32, #tpu.memory_space<vmem>> -> memref<1x50xi32, #tpu.memory_space<vmem>>
          %dma_start3A_210 = tpu.memref_squeeze %dma_start3A_209 : memref<1x50xi32, #tpu.memory_space<vmem>> -> memref<50xi32, #tpu.memory_space<vmem>>
          %dma_start3A_211 = arith.constant 0 : i32
          %dma_start3A_212 = arith.constant 0 : i32
          %dma_start3A_213 = tpu.memref_slice %arg4[%dma_start3A_211, %dma_start3A_212] : memref<10240x128xf32, #tpu.memory_space<hbm>> -> memref<10240x128xf32, #tpu.memory_space<hbm>>
          tpu.enqueue_indirect_dma source(%dma_start3A_213 : memref<10240x128xf32, #tpu.memory_space<hbm>>) target(%arg8 : memref<50x128xf32, #tpu.memory_space<vmem>>) offsets(%dma_start3A_210 : memref<50xi32, #tpu.memory_space<vmem>>) semaphore(%arg14 : memref<!tpu.dma_semaphore, #tpu.memory_space<semaphore_mem>>)
        } else {
        }
        %dma_wait3A_135 = arith.constant 0 : i32
        %dma_wait3A_136 = arith.constant 0 : i32
        %dma_wait3A_137 = tpu.memref_slice %arg6[%dma_wait3A_135, %dma_wait3A_136] : memref<40x50xi32, #tpu.memory_space<vmem>> -> memref<1x50xi32, #tpu.memory_space<vmem>>
        %dma_wait3A_138 = tpu.memref_squeeze %dma_wait3A_137 : memref<1x50xi32, #tpu.memory_space<vmem>> -> memref<50xi32, #tpu.memory_space<vmem>>
        %dma_wait3A_139 = arith.constant 0 : i32
        %dma_wait3A_140 = arith.constant 0 : i32
        %dma_wait3A_141 = tpu.memref_slice %arg4[%dma_wait3A_139, %dma_wait3A_140] : memref<10240x128xf32, #tpu.memory_space<hbm>> -> memref<10240x128xf32, #tpu.memory_space<hbm>>
        tpu.wait_indirect_dma semaphore(%arg16 : memref<!tpu.dma_semaphore, #tpu.memory_space<semaphore_mem>>) src(%dma_wait3A_141 : memref<10240x128xf32, #tpu.memory_space<hbm>>) dst(%arg10 : memref<50x128xf32, #tpu.memory_space<vmem>>)
        %dma_start3A_142 = arith.constant 0 : i32
        %dma_start3A_143 = tpu.memref_slice %arg7[%add3A_123, %dma_start3A_142] : memref<40x50xi32, #tpu.memory_space<vmem>> -> memref<1x50xi32, #tpu.memory_space<vmem>>
        %dma_start3A_144 = tpu.memref_squeeze %dma_start3A_143 : memref<1x50xi32, #tpu.memory_space<vmem>> -> memref<50xi32, #tpu.memory_space<vmem>>
        %dma_start3A_145 = arith.constant 0 : i32
        %dma_start3A_146 = arith.constant 0 : i32
        %dma_start3A_147 = tpu.memref_slice %arg13[%dma_start3A_145, %dma_start3A_146] : memref<10240x128xf32, #tpu.memory_space<vmem_shared>> -> memref<10240x128xf32, #tpu.memory_space<vmem_shared>>
        tpu.enqueue_indirect_dma source(%arg10 : memref<50x128xf32, #tpu.memory_space<vmem>>) target(%dma_start3A_147 : memref<10240x128xf32, #tpu.memory_space<vmem_shared>>) offsets(%dma_start3A_144 : memref<50xi32, #tpu.memory_space<vmem>>) semaphore(%arg21 : memref<!tpu.dma_semaphore, #tpu.memory_space<semaphore_mem>>) {add = true}
        %mul3A_148 = arith.constant 5 : i32
        %mul3A_149 = arith.muli %mul3A_148, %scan3A_60 : i32
        %add3A_150 = arith.constant 3 : i32
        %add3A_151 = arith.addi %mul3A_149, %add3A_150 : i32
        %dma_wait3A_152 = arith.constant 0 : i32
        %dma_wait3A_153 = arith.constant 0 : i32
        %dma_wait3A_154 = tpu.memref_slice %arg7[%dma_wait3A_152, %dma_wait3A_153] : memref<40x50xi32, #tpu.memory_space<vmem>> -> memref<1x50xi32, #tpu.memory_space<vmem>>
        %dma_wait3A_155 = tpu.memref_squeeze %dma_wait3A_154 : memref<1x50xi32, #tpu.memory_space<vmem>> -> memref<50xi32, #tpu.memory_space<vmem>>
        %dma_wait3A_156 = arith.constant 0 : i32
        %dma_wait3A_157 = arith.constant 0 : i32
        %dma_wait3A_158 = tpu.memref_slice %arg13[%dma_wait3A_156, %dma_wait3A_157] : memref<10240x128xf32, #tpu.memory_space<vmem_shared>> -> memref<10240x128xf32, #tpu.memory_space<vmem_shared>>
        tpu.wait_indirect_dma semaphore(%arg20 : memref<!tpu.dma_semaphore, #tpu.memory_space<semaphore_mem>>) src(%arg9 : memref<50x128xf32, #tpu.memory_space<vmem>>) dst(%dma_wait3A_158 : memref<10240x128xf32, #tpu.memory_space<vmem_shared>>)
        %lt3A_159 = arith.constant 7 : i32
        %lt3A_160 = arith.cmpi slt, %scan3A_60, %lt3A_159 : i32
        %convert_element_type3A_161 = arith.extui %lt3A_160 : i1 to i32
        %cond3A_162 = arith.constant 0 : i32
        %cond3A_163 = arith.cmpi ne, %convert_element_type3A_161, %cond3A_162 : i32
        scf.if %cond3A_163 {
          %add3A_206 = arith.constant 3 : i32
          %add3A_207 = arith.addi %add3A_151, %add3A_206 : i32
          %dma_start3A_208 = arith.constant 0 : i32
          %dma_start3A_209 = tpu.memref_slice %arg6[%add3A_207, %dma_start3A_208] : memref<40x50xi32, #tpu.memory_space<vmem>> -> memref<1x50xi32, #tpu.memory_space<vmem>>
          %dma_start3A_210 = tpu.memref_squeeze %dma_start3A_209 : memref<1x50xi32, #tpu.memory_space<vmem>> -> memref<50xi32, #tpu.memory_space<vmem>>
          %dma_start3A_211 = arith.constant 0 : i32
          %dma_start3A_212 = arith.constant 0 : i32
          %dma_start3A_213 = tpu.memref_slice %arg4[%dma_start3A_211, %dma_start3A_212] : memref<10240x128xf32, #tpu.memory_space<hbm>> -> memref<10240x128xf32, #tpu.memory_space<hbm>>
          tpu.enqueue_indirect_dma source(%dma_start3A_213 : memref<10240x128xf32, #tpu.memory_space<hbm>>) target(%arg9 : memref<50x128xf32, #tpu.memory_space<vmem>>) offsets(%dma_start3A_210 : memref<50xi32, #tpu.memory_space<vmem>>) semaphore(%arg15 : memref<!tpu.dma_semaphore, #tpu.memory_space<semaphore_mem>>)
        } else {
        }
        %dma_wait3A_164 = arith.constant 0 : i32
        %dma_wait3A_165 = arith.constant 0 : i32
        %dma_wait3A_166 = tpu.memref_slice %arg6[%dma_wait3A_164, %dma_wait3A_165] : memref<40x50xi32, #tpu.memory_space<vmem>> -> memref<1x50xi32, #tpu.memory_space<vmem>>
        %dma_wait3A_167 = tpu.memref_squeeze %dma_wait3A_166 : memref<1x50xi32, #tpu.memory_space<vmem>> -> memref<50xi32, #tpu.memory_space<vmem>>
        %dma_wait3A_168 = arith.constant 0 : i32
        %dma_wait3A_169 = arith.constant 0 : i32
        %dma_wait3A_170 = tpu.memref_slice %arg4[%dma_wait3A_168, %dma_wait3A_169] : memref<10240x128xf32, #tpu.memory_space<hbm>> -> memref<10240x128xf32, #tpu.memory_space<hbm>>
        tpu.wait_indirect_dma semaphore(%arg17 : memref<!tpu.dma_semaphore, #tpu.memory_space<semaphore_mem>>) src(%dma_wait3A_170 : memref<10240x128xf32, #tpu.memory_space<hbm>>) dst(%arg11 : memref<50x128xf32, #tpu.memory_space<vmem>>)
        %dma_start3A_171 = arith.constant 0 : i32
        %dma_start3A_172 = tpu.memref_slice %arg7[%add3A_151, %dma_start3A_171] : memref<40x50xi32, #tpu.memory_space<vmem>> -> memref<1x50xi32, #tpu.memory_space<vmem>>
        %dma_start3A_173 = tpu.memref_squeeze %dma_start3A_172 : memref<1x50xi32, #tpu.memory_space<vmem>> -> memref<50xi32, #tpu.memory_space<vmem>>
        %dma_start3A_174 = arith.constant 0 : i32
        %dma_start3A_175 = arith.constant 0 : i32
        %dma_start3A_176 = tpu.memref_slice %arg13[%dma_start3A_174, %dma_start3A_175] : memref<10240x128xf32, #tpu.memory_space<vmem_shared>> -> memref<10240x128xf32, #tpu.memory_space<vmem_shared>>
        tpu.enqueue_indirect_dma source(%arg11 : memref<50x128xf32, #tpu.memory_space<vmem>>) target(%dma_start3A_176 : memref<10240x128xf32, #tpu.memory_space<vmem_shared>>) offsets(%dma_start3A_173 : memref<50xi32, #tpu.memory_space<vmem>>) semaphore(%arg22 : memref<!tpu.dma_semaphore, #tpu.memory_space<semaphore_mem>>) {add = true}
        %mul3A_177 = arith.constant 5 : i32
        %mul3A_178 = arith.muli %mul3A_177, %scan3A_60 : i32
        %add3A_179 = arith.constant 4 : i32
        %add3A_180 = arith.addi %mul3A_178, %add3A_179 : i32
        %dma_wait3A_181 = arith.constant 0 : i32
        %dma_wait3A_182 = arith.constant 0 : i32
        %dma_wait3A_183 = tpu.memref_slice %arg7[%dma_wait3A_181, %dma_wait3A_182] : memref<40x50xi32, #tpu.memory_space<vmem>> -> memref<1x50xi32, #tpu.memory_space<vmem>>
        %dma_wait3A_184 = tpu.memref_squeeze %dma_wait3A_183 : memref<1x50xi32, #tpu.memory_space<vmem>> -> memref<50xi32, #tpu.memory_space<vmem>>
        %dma_wait3A_185 = arith.constant 0 : i32
        %dma_wait3A_186 = arith.constant 0 : i32
        %dma_wait3A_187 = tpu.memref_slice %arg13[%dma_wait3A_185, %dma_wait3A_186] : memref<10240x128xf32, #tpu.memory_space<vmem_shared>> -> memref<10240x128xf32, #tpu.memory_space<vmem_shared>>
        tpu.wait_indirect_dma semaphore(%arg21 : memref<!tpu.dma_semaphore, #tpu.memory_space<semaphore_mem>>) src(%arg10 : memref<50x128xf32, #tpu.memory_space<vmem>>) dst(%dma_wait3A_187 : memref<10240x128xf32, #tpu.memory_space<vmem_shared>>)
        %lt3A_188 = arith.constant 7 : i32
        %lt3A_189 = arith.cmpi slt, %scan3A_60, %lt3A_188 : i32
        %convert_element_type3A_190 = arith.extui %lt3A_189 : i1 to i32
        %cond3A_191 = arith.constant 0 : i32
        %cond3A_192 = arith.cmpi ne, %convert_element_type3A_190, %cond3A_191 : i32
        scf.if %cond3A_192 {
          %add3A_206 = arith.constant 3 : i32
          %add3A_207 = arith.addi %add3A_180, %add3A_206 : i32
          %dma_start3A_208 = arith.constant 0 : i32
          %dma_start3A_209 = tpu.memref_slice %arg6[%add3A_207, %dma_start3A_208] : memref<40x50xi32, #tpu.memory_space<vmem>> -> memref<1x50xi32, #tpu.memory_space<vmem>>
          %dma_start3A_210 = tpu.memref_squeeze %dma_start3A_209 : memref<1x50xi32, #tpu.memory_space<vmem>> -> memref<50xi32, #tpu.memory_space<vmem>>
          %dma_start3A_211 = arith.constant 0 : i32
          %dma_start3A_212 = arith.constant 0 : i32
          %dma_start3A_213 = tpu.memref_slice %arg4[%dma_start3A_211, %dma_start3A_212] : memref<10240x128xf32, #tpu.memory_space<hbm>> -> memref<10240x128xf32, #tpu.memory_space<hbm>>
          tpu.enqueue_indirect_dma source(%dma_start3A_213 : memref<10240x128xf32, #tpu.memory_space<hbm>>) target(%arg10 : memref<50x128xf32, #tpu.memory_space<vmem>>) offsets(%dma_start3A_210 : memref<50xi32, #tpu.memory_space<vmem>>) semaphore(%arg16 : memref<!tpu.dma_semaphore, #tpu.memory_space<semaphore_mem>>)
        } else {
        }
        %dma_wait3A_193 = arith.constant 0 : i32
        %dma_wait3A_194 = arith.constant 0 : i32
        %dma_wait3A_195 = tpu.memref_slice %arg6[%dma_wait3A_193, %dma_wait3A_194] : memref<40x50xi32, #tpu.memory_space<vmem>> -> memref<1x50xi32, #tpu.memory_space<vmem>>
        %dma_wait3A_196 = tpu.memref_squeeze %dma_wait3A_195 : memref<1x50xi32, #tpu.memory_space<vmem>> -> memref<50xi32, #tpu.memory_space<vmem>>
        %dma_wait3A_197 = arith.constant 0 : i32
        %dma_wait3A_198 = arith.constant 0 : i32
        %dma_wait3A_199 = tpu.memref_slice %arg4[%dma_wait3A_197, %dma_wait3A_198] : memref<10240x128xf32, #tpu.memory_space<hbm>> -> memref<10240x128xf32, #tpu.memory_space<hbm>>
        tpu.wait_indirect_dma semaphore(%arg18 : memref<!tpu.dma_semaphore, #tpu.memory_space<semaphore_mem>>) src(%dma_wait3A_199 : memref<10240x128xf32, #tpu.memory_space<hbm>>) dst(%arg12 : memref<50x128xf32, #tpu.memory_space<vmem>>)
        %dma_start3A_200 = arith.constant 0 : i32
        %dma_start3A_201 = tpu.memref_slice %arg7[%add3A_180, %dma_start3A_200] : memref<40x50xi32, #tpu.memory_space<vmem>> -> memref<1x50xi32, #tpu.memory_space<vmem>>
        %dma_start3A_202 = tpu.memref_squeeze %dma_start3A_201 : memref<1x50xi32, #tpu.memory_space<vmem>> -> memref<50xi32, #tpu.memory_space<vmem>>
        %dma_start3A_203 = arith.constant 0 : i32
        %dma_start3A_204 = arith.constant 0 : i32
        %dma_start3A_205 = tpu.memref_slice %arg13[%dma_start3A_203, %dma_start3A_204] : memref<10240x128xf32, #tpu.memory_space<vmem_shared>> -> memref<10240x128xf32, #tpu.memory_space<vmem_shared>>
        tpu.enqueue_indirect_dma source(%arg12 : memref<50x128xf32, #tpu.memory_space<vmem>>) target(%dma_start3A_205 : memref<10240x128xf32, #tpu.memory_space<vmem_shared>>) offsets(%dma_start3A_202 : memref<50xi32, #tpu.memory_space<vmem>>) semaphore(%arg23 : memref<!tpu.dma_semaphore, #tpu.memory_space<semaphore_mem>>) {add = true}
      }
      %scan3A_46 = arith.constant 8 : i32
      %dma_wait3A = arith.constant 0 : i32
      %dma_wait3A_47 = arith.constant 0 : i32
      %dma_wait3A_48 = tpu.memref_slice %arg7[%dma_wait3A, %dma_wait3A_47] : memref<40x50xi32, #tpu.memory_space<vmem>> -> memref<1x50xi32, #tpu.memory_space<vmem>>
      %dma_wait3A_49 = tpu.memref_squeeze %dma_wait3A_48 : memref<1x50xi32, #tpu.memory_space<vmem>> -> memref<50xi32, #tpu.memory_space<vmem>>
      %dma_wait3A_50 = arith.constant 0 : i32
      %dma_wait3A_51 = arith.constant 0 : i32
      %dma_wait3A_52 = tpu.memref_slice %arg13[%dma_wait3A_50, %dma_wait3A_51] : memref<10240x128xf32, #tpu.memory_space<vmem_shared>> -> memref<10240x128xf32, #tpu.memory_space<vmem_shared>>
      tpu.wait_indirect_dma semaphore(%arg22 : memref<!tpu.dma_semaphore, #tpu.memory_space<semaphore_mem>>) src(%arg11 : memref<50x128xf32, #tpu.memory_space<vmem>>) dst(%dma_wait3A_52 : memref<10240x128xf32, #tpu.memory_space<vmem_shared>>)
      %dma_wait3A_53 = arith.constant 0 : i32
      %dma_wait3A_54 = arith.constant 0 : i32
      %dma_wait3A_55 = tpu.memref_slice %arg7[%dma_wait3A_53, %dma_wait3A_54] : memref<40x50xi32, #tpu.memory_space<vmem>> -> memref<1x50xi32, #tpu.memory_space<vmem>>
      %dma_wait3A_56 = tpu.memref_squeeze %dma_wait3A_55 : memref<1x50xi32, #tpu.memory_space<vmem>> -> memref<50xi32, #tpu.memory_space<vmem>>
      %dma_wait3A_57 = arith.constant 0 : i32
      %dma_wait3A_58 = arith.constant 0 : i32
      %dma_wait3A_59 = tpu.memref_slice %arg13[%dma_wait3A_57, %dma_wait3A_58] : memref<10240x128xf32, #tpu.memory_space<vmem_shared>> -> memref<10240x128xf32, #tpu.memory_space<vmem_shared>>
      tpu.wait_indirect_dma semaphore(%arg23 : memref<!tpu.dma_semaphore, #tpu.memory_space<semaphore_mem>>) src(%arg12 : memref<50x128xf32, #tpu.memory_space<vmem>>) dst(%dma_wait3A_59 : memref<10240x128xf32, #tpu.memory_space<vmem_shared>>)
    }
    %scan3A_14 = arith.constant 5 : i32
    %barrier3A_15 = arith.constant 0 : index
    tpu.barrier barrier_id(%barrier3A_15)
    "tpu.region"() ({
      %run_scoped3A = tpu.sem_alloc : memref<!tpu.dma_semaphore, #tpu.memory_space<semaphore_mem>>
      %dma_start3A = arith.constant 0 : i32
      %dma_start3A_16 = arith.constant 0 : i32
      %dma_start3A_17 = tpu.memref_slice %arg5[%arg0, %dma_start3A, %dma_start3A_16] : memref<2x10240x128xf32, #tpu.memory_space<hbm>> -> memref<1x10240x128xf32, #tpu.memory_space<hbm>>
      %dma_start3A_18 = tpu.memref_squeeze %dma_start3A_17 : memref<1x10240x128xf32, #tpu.memory_space<hbm>> -> memref<10240x128xf32, #tpu.memory_space<hbm>>
      %dma_start3A_19 = arith.constant 0 : i32
      %dma_start3A_20 = tpu.memref_slice %dma_start3A_18[%mul3A_2, %dma_start3A_19] : memref<10240x128xf32, #tpu.memory_space<hbm>> -> memref<640x128xf32, #tpu.memory_space<hbm>>
      %dma_start3A_21 = arith.constant 0 : i32
      %dma_start3A_22 = tpu.memref_slice %arg13[%mul3A_2, %dma_start3A_21] : memref<10240x128xf32, #tpu.memory_space<vmem_shared>> -> memref<640x128xf32, #tpu.memory_space<vmem_shared>>
      tpu.enqueue_dma source(%dma_start3A_22 : memref<640x128xf32, #tpu.memory_space<vmem_shared>>) target(%dma_start3A_20 : memref<640x128xf32, #tpu.memory_space<hbm>>) target_semaphore(%run_scoped3A : memref<!tpu.dma_semaphore, #tpu.memory_space<semaphore_mem>>)
      %dma_wait3A = arith.constant 0 : i32
      %dma_wait3A_23 = arith.constant 0 : i32
      %dma_wait3A_24 = tpu.memref_slice %arg5[%arg0, %dma_wait3A, %dma_wait3A_23] : memref<2x10240x128xf32, #tpu.memory_space<hbm>> -> memref<1x10240x128xf32, #tpu.memory_space<hbm>>
      %dma_wait3A_25 = tpu.memref_squeeze %dma_wait3A_24 : memref<1x10240x128xf32, #tpu.memory_space<hbm>> -> memref<10240x128xf32, #tpu.memory_space<hbm>>
      %dma_wait3A_26 = arith.constant 0 : i32
      %dma_wait3A_27 = tpu.memref_slice %dma_wait3A_25[%mul3A_2, %dma_wait3A_26] : memref<10240x128xf32, #tpu.memory_space<hbm>> -> memref<640x128xf32, #tpu.memory_space<hbm>>
      %dma_wait3A_28 = arith.constant 0 : i32
      %dma_wait3A_29 = tpu.memref_slice %arg13[%mul3A_2, %dma_wait3A_28] : memref<10240x128xf32, #tpu.memory_space<vmem_shared>> -> memref<640x128xf32, #tpu.memory_space<vmem_shared>>
      tpu.wait_dma2 semaphore(%run_scoped3A : memref<!tpu.dma_semaphore, #tpu.memory_space<semaphore_mem>>) src(%dma_wait3A_29 : memref<640x128xf32, #tpu.memory_space<vmem_shared>>) dst(%dma_wait3A_27 : memref<640x128xf32, #tpu.memory_space<hbm>>)
      tpu.yield
    }) : () -> ()
    return
  }
}

module attributes {stable_mosaic.version = 14 : i64} {
  func.func @_tc1_body(%arg0: i32, %arg1: memref<1024x128xf32, #tpu.memory_space<vmem>>, %arg2: memref<128x128xf32, #tpu.memory_space<vmem>>, %arg3: memref<32x1024xf32, #tpu.memory_space<vmem>>, %arg4: memref<1024x128xf32, #tpu.memory_space<vmem>>, %arg5: memref<1024x1xf32, #tpu.memory_space<vmem>>) attributes {dimension_semantics = [#tpu.dimension_semantics<arbitrary>], iteration_bounds = array<i64: 10>, scalar_prefetch = 0 : i64, scratch_operands = 0 : i64, tpu.core_type = #tpu.core_type<tc>, window_params = [{transform_indices = @transform_0, window_bounds = array<i64: 1024, 128>}, {pipeline_mode = #tpu.pipeline_mode<synchronous>, transform_indices = @transform_1, window_bounds = array<i64: 128, 128>}, {transform_indices = @transform_2, window_bounds = array<i64: 32, 1024>}, {transform_indices = @transform_3, window_bounds = array<i64: 1024, 128>}, {transform_indices = @transform_4, window_bounds = array<i64: 1024, 1>}]} {
    %get3A = arith.constant 0 : index
    %get3A_0 = arith.constant 0 : index
    %get3A_1 = vector.load %arg3[%get3A, %get3A_0] : memref<32x1024xf32, #tpu.memory_space<vmem>>, vector<32x1024xf32>
    %reduce_sum3A = arith.constant dense<0.000000e+00> : vector<1024xf32>
    %reduce_sum3A_2 = vector.multi_reduction <add>, %get3A_1, %reduce_sum3A [0] : vector<32x1024xf32> to vector<1024xf32>
    %add3A = arith.constant 1.000000e+00 : f32
    %add3A_3 = vector.broadcast %add3A : f32 to vector<1024xf32>
    %add3A_4 = arith.addf %reduce_sum3A_2, %add3A_3 : vector<1024xf32>
    %rsqrt3A = math.rsqrt %add3A_4 : vector<1024xf32>
    %get3A_5 = arith.constant 0 : index
    %get3A_6 = arith.constant 0 : index
    %get3A_7 = vector.load %arg1[%get3A_5, %get3A_6] : memref<1024x128xf32, #tpu.memory_space<vmem>>, vector<1024x128xf32>
    %get3A_8 = arith.constant 0 : index
    %get3A_9 = arith.constant 0 : index
    %get3A_10 = vector.load %arg2[%get3A_8, %get3A_9] : memref<128x128xf32, #tpu.memory_space<vmem>>, vector<128x128xf32>
    %dot_general3A = arith.constant dense<0.000000e+00> : vector<1024x128xf32>
    %dot_general3A_11 = tpu.matmul %get3A_7, %get3A_10, %dot_general3A {dimension_numbers = #tpu.dot_dimension_numbers<[1], [0], [0], [1], [0, 0, 1, 1], [], []>, transpose_lhs_hint = false} : vector<1024x128xf32>, vector<128x128xf32>, vector<1024x128xf32> -> vector<1024x128xf32>
    %broadcast_in_dim3A = vector.shape_cast %rsqrt3A : vector<1024xf32> to vector<1024x1xf32>
    %mul3A = vector.broadcast %broadcast_in_dim3A : vector<1024x1xf32> to vector<1024x128xf32>
    %mul3A_12 = arith.mulf %dot_general3A_11, %mul3A : vector<1024x128xf32>
    %swap3A = arith.constant 0 : index
    %swap3A_13 = arith.constant 0 : index
    %swap3A_14 = vector.load %arg4[%swap3A, %swap3A_13] : memref<1024x128xf32, #tpu.memory_space<vmem>>, vector<1024x128xf32>
    tpu.vector_store %arg4[%swap3A, %swap3A_13], %mul3A_12 {strides = array<i32>} : memref<1024x128xf32, #tpu.memory_space<vmem>>, vector<1024x128xf32>,
    %broadcast_in_dim3A_15 = vector.shape_cast %rsqrt3A : vector<1024xf32> to vector<1024x1xf32>
    %swap3A_16 = arith.constant 0 : index
    %swap3A_17 = arith.constant 0 : index
    %swap3A_18 = vector.load %arg5[%swap3A_16, %swap3A_17] : memref<1024x1xf32, #tpu.memory_space<vmem>>, vector<1024x1xf32>
    tpu.vector_store %arg5[%swap3A_16, %swap3A_17], %broadcast_in_dim3A_15 {strides = array<i32>} : memref<1024x1xf32, #tpu.memory_space<vmem>>, vector<1024x1xf32>,
    return
  }
  func.func @transform_0(%arg0: i32) -> (i32, i32) {
    %c0_i32 = arith.constant 0 : i32
    %c0_i32_0 = arith.constant 0 : i32
    return %arg0, %c0_i32 : i32, i32
  }
  func.func @transform_1(%arg0: i32) -> (i32, i32) {
    %c0_i32 = arith.constant 0 : i32
    %c0_i32_0 = arith.constant 0 : i32
    %c0_i32_1 = arith.constant 0 : i32
    return %c0_i32, %c0_i32_0 : i32, i32
  }
  func.func @transform_2(%arg0: i32) -> (i32, i32) {
    %c0_i32 = arith.constant 0 : i32
    %c0_i32_0 = arith.constant 0 : i32
    return %c0_i32, %arg0 : i32, i32
  }
  func.func @transform_3(%arg0: i32) -> (i32, i32) {
    %c0_i32 = arith.constant 0 : i32
    %c0_i32_0 = arith.constant 0 : i32
    return %arg0, %c0_i32 : i32, i32
  }
  func.func @transform_4(%arg0: i32) -> (i32, i32) {
    %c0_i32 = arith.constant 0 : i32
    %c0_i32_0 = arith.constant 0 : i32
    return %arg0, %c0_i32 : i32, i32
  }
}

module attributes {stable_mosaic.version = 14 : i64} {
  func.func @_tc2_body(%arg0: i32, %arg1: memref<1024x128xf32, #tpu.memory_space<vmem>>, %arg2: memref<1024x128xf32, #tpu.memory_space<vmem>>, %arg3: memref<1024x1xf32, #tpu.memory_space<vmem>>, %arg4: memref<1024x1xi32, #tpu.memory_space<vmem>>, %arg5: memref<1x128xf32, #tpu.memory_space<vmem>>, %arg6: memref<128x128xf32, #tpu.memory_space<vmem>>, %arg7: memref<1x128xf32, #tpu.memory_space<vmem>>, %arg8: memref<128x128xf32, #tpu.memory_space<vmem>>, %arg9: memref<128x128xf32, #tpu.memory_space<vmem>>, %arg10: memref<128x128xf32, #tpu.memory_space<vmem>>) attributes {dimension_semantics = [#tpu.dimension_semantics<arbitrary>], iteration_bounds = array<i64: 10>, scalar_prefetch = 0 : i64, scratch_operands = 2 : i64, tpu.core_type = #tpu.core_type<tc>, window_params = [{transform_indices = @transform_0, window_bounds = array<i64: 1024, 128>}, {transform_indices = @transform_1, window_bounds = array<i64: 1024, 128>}, {transform_indices = @transform_2, window_bounds = array<i64: 1024, 1>}, {transform_indices = @transform_3, window_bounds = array<i64: 1024, 1>}, {pipeline_mode = #tpu.pipeline_mode<synchronous>, transform_indices = @transform_4, window_bounds = array<i64: 1, 128>}, {pipeline_mode = #tpu.pipeline_mode<synchronous>, transform_indices = @transform_5, window_bounds = array<i64: 128, 128>}, {pipeline_mode = #tpu.pipeline_mode<synchronous>, transform_indices = @transform_6, window_bounds = array<i64: 1, 128>}, {pipeline_mode = #tpu.pipeline_mode<synchronous>, transform_indices = @transform_7, window_bounds = array<i64: 128, 128>}]} {
    %eq3A = arith.constant 0 : i32
    %eq3A_0 = arith.cmpi eq, %arg0, %eq3A : i32
    %convert_element_type3A = arith.extui %eq3A_0 : i1 to i32
    %cond3A = arith.constant 0 : i32
    %cond3A_1 = arith.cmpi ne, %convert_element_type3A, %cond3A : i32
    scf.if %cond3A_1 {
      %broadcast_in_dim3A_63 = arith.constant 0.000000e+00 : f32
      %broadcast_in_dim3A_64 = vector.broadcast %broadcast_in_dim3A_63 : f32 to vector<128x128xf32>
      %swap3A_65 = arith.constant 0 : index
      %swap3A_66 = arith.constant 0 : index
      %swap3A_67 = vector.load %arg9[%swap3A_65, %swap3A_66] : memref<128x128xf32, #tpu.memory_space<vmem>>, vector<128x128xf32>
      tpu.vector_store %arg9[%swap3A_65, %swap3A_66], %broadcast_in_dim3A_64 {strides = array<i32>} : memref<128x128xf32, #tpu.memory_space<vmem>>, vector<128x128xf32>,
      %broadcast_in_dim3A_68 = arith.constant 0.000000e+00 : f32
      %broadcast_in_dim3A_69 = vector.broadcast %broadcast_in_dim3A_68 : f32 to vector<128x128xf32>
      %swap3A_70 = arith.constant 0 : index
      %swap3A_71 = arith.constant 0 : index
      %swap3A_72 = vector.load %arg10[%swap3A_70, %swap3A_71] : memref<128x128xf32, #tpu.memory_space<vmem>>, vector<128x128xf32>
      tpu.vector_store %arg10[%swap3A_70, %swap3A_71], %broadcast_in_dim3A_69 {strides = array<i32>} : memref<128x128xf32, #tpu.memory_space<vmem>>, vector<128x128xf32>,
    } else {
    }
    %get3A = arith.constant 0 : index
    %get3A_2 = arith.constant 0 : index
    %get3A_3 = vector.load %arg3[%get3A, %get3A_2] : memref<1024x1xf32, #tpu.memory_space<vmem>>, vector<1024x1xf32>
    %get3A_4 = arith.constant 0 : index
    %get3A_5 = arith.constant 0 : index
    %get3A_6 = vector.load %arg1[%get3A_4, %get3A_5] : memref<1024x128xf32, #tpu.memory_space<vmem>>, vector<1024x128xf32>
    %get3A_7 = arith.constant 0 : index
    %get3A_8 = arith.constant 0 : index
    %get3A_9 = vector.load %arg2[%get3A_7, %get3A_8] : memref<1024x128xf32, #tpu.memory_space<vmem>>, vector<1024x128xf32>
    %add3A = arith.addf %get3A_6, %get3A_9 : vector<1024x128xf32>
    %mul3A = vector.broadcast %get3A_3 : vector<1024x1xf32> to vector<1024x128xf32>
    %mul3A_10 = arith.mulf %mul3A, %add3A : vector<1024x128xf32>
    %get3A_11 = arith.constant 0 : index
    %get3A_12 = arith.constant 0 : index
    %get3A_13 = vector.load %arg5[%get3A_11, %get3A_12] : memref<1x128xf32, #tpu.memory_space<vmem>>, vector<1x128xf32>
    %add3A_14 = vector.broadcast %get3A_13 : vector<1x128xf32> to vector<1024x128xf32>
    %add3A_15 = arith.addf %mul3A_10, %add3A_14 : vector<1024x128xf32>
    %max3A = arith.constant 0.000000e+00 : f32
    %max3A_16 = vector.broadcast %max3A : f32 to vector<1024x128xf32>
    %max3A_17 = arith.maximumf %add3A_15, %max3A_16 : vector<1024x128xf32>
    %get3A_18 = arith.constant 0 : index
    %get3A_19 = arith.constant 0 : index
    %get3A_20 = vector.load %arg4[%get3A_18, %get3A_19] : memref<1024x1xi32, #tpu.memory_space<vmem>>, vector<1024x1xi32>
    %iota3A = tpu.iota {dimensions = array<i32: 0>} : vector<1024x1xi32>
    %mul3A_21 = arith.constant 1024 : i32
    %mul3A_22 = arith.muli %arg0, %mul3A_21 : i32
    %add3A_23 = vector.broadcast %mul3A_22 : i32 to vector<1024x1xi32>
    %add3A_24 = arith.addi %iota3A, %add3A_23 : vector<1024x1xi32>
    %lt3A = arith.constant 10000 : i32
    %lt3A_25 = vector.broadcast %lt3A : i32 to vector<1024x1xi32>
    %lt3A_26 = arith.cmpi slt, %add3A_24, %lt3A_25 : vector<1024x1xi32>
    %jit3A = arith.constant 0.000000e+00 : f32
    %broadcast_in_dim3A = vector.shape_cast %lt3A_26 : vector<1024x1xi1> to vector<1024x1xi1>
    %broadcast_in_dim3A_27 = vector.broadcast %broadcast_in_dim3A : vector<1024x1xi1> to vector<1024x128xi1>
    %broadcast_in_dim3A_28 = vector.broadcast %jit3A : f32 to vector<1024x128xf32>
    %select_n3A = arith.select %broadcast_in_dim3A_27, %max3A_17, %broadcast_in_dim3A_28 : vector<1024x128xi1>, vector<1024x128xf32>
    %iota3A_29 = tpu.iota {dimensions = array<i32: 1>} : vector<1x128xi32>
    %eq3A_30 = vector.broadcast %get3A_20 : vector<1024x1xi32> to vector<1024x128xi32>
    %eq3A_31 = vector.broadcast %iota3A_29 : vector<1x128xi32> to vector<1024x128xi32>
    %eq3A_32 = arith.cmpi eq, %eq3A_30, %eq3A_31 : vector<1024x128xi32>
    %convert_element_type3A_33 = arith.extui %eq3A_32 : vector<1024x128xi1> to vector<1024x128xi32>
    %convert_element_type3A_34 = arith.sitofp %convert_element_type3A_33 : vector<1024x128xi32> to vector<1024x128xf32>
    %jit3A_35 = arith.constant 0.000000e+00 : f32
    %broadcast_in_dim3A_36 = vector.shape_cast %lt3A_26 : vector<1024x1xi1> to vector<1024x1xi1>
    %broadcast_in_dim3A_37 = vector.broadcast %broadcast_in_dim3A_36 : vector<1024x1xi1> to vector<1024x128xi1>
    %broadcast_in_dim3A_38 = vector.broadcast %jit3A_35 : f32 to vector<1024x128xf32>
    %select_n3A_39 = arith.select %broadcast_in_dim3A_37, %convert_element_type3A_34, %broadcast_in_dim3A_38 : vector<1024x128xi1>, vector<1024x128xf32>
    %get3A_40 = arith.constant 0 : index
    %get3A_41 = arith.constant 0 : index
    %get3A_42 = vector.load %arg9[%get3A_40, %get3A_41] : memref<128x128xf32, #tpu.memory_space<vmem>>, vector<128x128xf32>
    %dot_general3A = arith.constant dense<0.000000e+00> : vector<128x128xf32>
    %dot_general3A_43 = tpu.matmul %select_n3A_39, %select_n3A, %dot_general3A {dimension_numbers = #tpu.dot_dimension_numbers<[0], [0], [1], [1], [0, 1, 1, 1], [], []>, transpose_lhs_hint = false} : vector<1024x128xf32>, vector<1024x128xf32>, vector<128x128xf32> -> vector<128x128xf32>
    %add3A_44 = arith.addf %get3A_42, %dot_general3A_43 : vector<128x128xf32>
    %swap3A = arith.constant 0 : index
    %swap3A_45 = arith.constant 0 : index
    %swap3A_46 = vector.load %arg9[%swap3A, %swap3A_45] : memref<128x128xf32, #tpu.memory_space<vmem>>, vector<128x128xf32>
    tpu.vector_store %arg9[%swap3A, %swap3A_45], %add3A_44 {strides = array<i32>} : memref<128x128xf32, #tpu.memory_space<vmem>>, vector<128x128xf32>,
    %get3A_47 = arith.constant 0 : index
    %get3A_48 = arith.constant 0 : index
    %get3A_49 = vector.load %arg10[%get3A_47, %get3A_48] : memref<128x128xf32, #tpu.memory_space<vmem>>, vector<128x128xf32>
    %broadcast_in_dim3A_50 = arith.constant 1.000000e+00 : f32
    %broadcast_in_dim3A_51 = vector.broadcast %broadcast_in_dim3A_50 : f32 to vector<1024x128xf32>
    %dot_general3A_52 = arith.constant dense<0.000000e+00> : vector<128x128xf32>
    %dot_general3A_53 = tpu.matmul %select_n3A_39, %broadcast_in_dim3A_51, %dot_general3A_52 {dimension_numbers = #tpu.dot_dimension_numbers<[0], [0], [1], [1], [0, 1, 1, 1], [], []>, transpose_lhs_hint = false} : vector<1024x128xf32>, vector<1024x128xf32>, vector<128x128xf32> -> vector<128x128xf32>
    %add3A_54 = arith.addf %get3A_49, %dot_general3A_53 : vector<128x128xf32>
    %swap3A_55 = arith.constant 0 : index
    %swap3A_56 = arith.constant 0 : index
    %swap3A_57 = vector.load %arg10[%swap3A_55, %swap3A_56] : memref<128x128xf32, #tpu.memory_space<vmem>>, vector<128x128xf32>
    tpu.vector_store %arg10[%swap3A_55, %swap3A_56], %add3A_54 {strides = array<i32>} : memref<128x128xf32, #tpu.memory_space<vmem>>, vector<128x128xf32>,
    %eq3A_58 = arith.constant 9 : i32
    %eq3A_59 = arith.cmpi eq, %arg0, %eq3A_58 : i32
    %convert_element_type3A_60 = arith.extui %eq3A_59 : i1 to i32
    %cond3A_61 = arith.constant 0 : i32
    %cond3A_62 = arith.cmpi ne, %convert_element_type3A_60, %cond3A_61 : i32
    scf.if %cond3A_62 {
      %get3A_63 = arith.constant 0 : index
      %get3A_64 = arith.constant 0 : index
      %get3A_65 = vector.load %arg9[%get3A_63, %get3A_64] : memref<128x128xf32, #tpu.memory_space<vmem>>, vector<128x128xf32>
      %get3A_66 = arith.constant 0 : index
      %get3A_67 = arith.constant 0 : index
      %get3A_68 = vector.load %arg10[%get3A_66, %get3A_67] : memref<128x128xf32, #tpu.memory_space<vmem>>, vector<128x128xf32>
      %max3A_69 = arith.constant 1.000000e+00 : f32
      %max3A_70 = vector.broadcast %max3A_69 : f32 to vector<128x128xf32>
      %max3A_71 = arith.maximumf %get3A_68, %max3A_70 : vector<128x128xf32>
      %div3A = arith.divf %get3A_65, %max3A_71 : vector<128x128xf32>
      %get3A_72 = arith.constant 0 : index
      %get3A_73 = arith.constant 0 : index
      %get3A_74 = vector.load %arg6[%get3A_72, %get3A_73] : memref<128x128xf32, #tpu.memory_space<vmem>>, vector<128x128xf32>
      %dot_general3A_75 = arith.constant dense<0.000000e+00> : vector<128x128xf32>
      %dot_general3A_76 = tpu.matmul %div3A, %get3A_74, %dot_general3A_75 {dimension_numbers = #tpu.dot_dimension_numbers<[1], [0], [0], [1], [0, 0, 1, 1], [], []>, transpose_lhs_hint = false} : vector<128x128xf32>, vector<128x128xf32>, vector<128x128xf32> -> vector<128x128xf32>
      %get3A_77 = arith.constant 0 : index
      %get3A_78 = arith.constant 0 : index
      %get3A_79 = vector.load %arg7[%get3A_77, %get3A_78] : memref<1x128xf32, #tpu.memory_space<vmem>>, vector<1x128xf32>
      %add3A_80 = vector.broadcast %get3A_79 : vector<1x128xf32> to vector<128x128xf32>
      %add3A_81 = arith.addf %dot_general3A_76, %add3A_80 : vector<128x128xf32>
      %swap3A_82 = arith.constant 0 : index
      %swap3A_83 = arith.constant 0 : index
      %swap3A_84 = vector.load %arg8[%swap3A_82, %swap3A_83] : memref<128x128xf32, #tpu.memory_space<vmem>>, vector<128x128xf32>
      tpu.vector_store %arg8[%swap3A_82, %swap3A_83], %add3A_81 {strides = array<i32>} : memref<128x128xf32, #tpu.memory_space<vmem>>, vector<128x128xf32>,
    } else {
    }
    return
  }
  func.func @transform_0(%arg0: i32) -> (i32, i32) {
    %c0_i32 = arith.constant 0 : i32
    %c0_i32_0 = arith.constant 0 : i32
    return %arg0, %c0_i32 : i32, i32
  }
  func.func @transform_1(%arg0: i32) -> (i32, i32) {
    %c0_i32 = arith.constant 0 : i32
    %c0_i32_0 = arith.constant 0 : i32
    return %arg0, %c0_i32 : i32, i32
  }
  func.func @transform_2(%arg0: i32) -> (i32, i32) {
    %c0_i32 = arith.constant 0 : i32
    %c0_i32_0 = arith.constant 0 : i32
    return %arg0, %c0_i32 : i32, i32
  }
  func.func @transform_3(%arg0: i32) -> (i32, i32) {
    %c0_i32 = arith.constant 0 : i32
    %c0_i32_0 = arith.constant 0 : i32
    return %arg0, %c0_i32 : i32, i32
  }
  func.func @transform_4(%arg0: i32) -> (i32, i32) {
    %c0_i32 = arith.constant 0 : i32
    %c0_i32_0 = arith.constant 0 : i32
    %c0_i32_1 = arith.constant 0 : i32
    return %c0_i32, %c0_i32_0 : i32, i32
  }
  func.func @transform_5(%arg0: i32) -> (i32, i32) {
    %c0_i32 = arith.constant 0 : i32
    %c0_i32_0 = arith.constant 0 : i32
    %c0_i32_1 = arith.constant 0 : i32
    return %c0_i32, %c0_i32_0 : i32, i32
  }
  func.func @transform_6(%arg0: i32) -> (i32, i32) {
    %c0_i32 = arith.constant 0 : i32
    %c0_i32_0 = arith.constant 0 : i32
    %c0_i32_1 = arith.constant 0 : i32
    return %c0_i32, %c0_i32_0 : i32, i32
  }
  func.func @transform_7(%arg0: i32) -> (i32, i32) {
    %c0_i32 = arith.constant 0 : i32
    %c0_i32_0 = arith.constant 0 : i32
    %c0_i32_1 = arith.constant 0 : i32
    return %c0_i32, %c0_i32_0 : i32, i32
  }
}

</mosaic_0001>

<sc_bundles>
// kernel: kernel.6.cloned.1.call-start
scs
__scs_entry_jumppad:
0x0: {  	(pc) =	sbr.rel $0x88, $3  }
0x1: {  	(tag) =	ssettag $0x0;
	lr =	simm.s32 $0x1  }
0x2: {  	[smem:$0x3F9A] =	sst lr;
	_ =	strace $0xD0000000  }
0x3: {  	_ = 	snop  }
0x4: {  	_ = 	snop  }
0x5: {  	_ = 	snop  }
0x6: {  	_ = 	snop  }
0x7: {  	_ = 	snop  }
__scs_overlays_trampoline_lowered:
0x8: {  	[smem:$0x3FA9] =	sst s0  }
0x9: {  	[smem:$0x3FAA] =	sst s1  }
0xa: {  	[smem:$0x3FAB] =	sst s2  }
0xb: {  	[smem:$0x3FAC] =	sst s3  }
0xc: {  	[smem:$0x3FAD] =	sst s4  }
0xd: {  	[smem:$0x3FAE] =	sst s5  }
0xe: {  	[smem:$0x3FAF] =	sst s6  }
0xf: {  	[smem:$0x3FB0] =	sst s7  }
0x10: {  	[smem:$0x3FB1] =	sst s8  }
0x11: {  	[smem:$0x3FB2] =	sst s9;
	s0 =	simm.s32 @!p0 $0x0  }
0x12: {  	s1 =	sld [smem:$0x3F98];
	s0 =	simm.s32 @p0 $0x1  }
0x13: {  	[smem:$0x3FB3] =	sst s0;
	s0 =	simm.s32 @!p1 $0x0  }
0x14: {  	s2 =	sld [smem:$0x3F97];
	s0 =	simm.s32 @p1 $0x1  }
0x15: {  	[smem:$0x3FB4] =	sst s0;
	s0 =	simm.s32 @!p2 $0x0  }
0x16: {  	s3 =	sld [smem:$0x3FDB];
	s0 =	simm.s32 @p2 $0x1  }
0x17: {  	s4 =	simm.s32 $0x1BF5;
	[smem:$0x3FB6] =	sst s0  }
0x18: {  	s0 =	sld [smem:$0x3F99];
	_ =	swait.ge [sflag:s4], $0x0  }
0x19: {  	s7 =	sld [smem:$0x3F9A]  }
0x1a: {  	s8 =	sadd.s32 $0xFFFFE003, lr  }
0x1b: {  	s9 =	sadd.s32 $0xFFFFFEF7, lr;
	s5 =	simm.s32 $0xFFFFFFFF;
	p2 =	slt.u32 s8, $0xFFFFF086  }
0x1c: {  	p1 =	slt.u32 s9, $0xF7A;
	s5 =	simm.s32 @!p2 $0x0  }
0x1d: {  	s5 =	simm.s32 @p1 $0x1;
	p0 =	seq.s32 s7, s2  }
0x1e: {  	s7 =	smul.u32 @!p0 $0xF7A, s2;
	p2 =	seq.s32 @!p0 s5, $0x0  }
0x1f: {  	s9 =	smul.u32 $0xF7A, s1;
	s8 =	simm.s32 @!p0 $0x1BF5;
	p2 =	por !p2, p0  }
0x20: {  	[sflag:s8] =	ssyncset.s32 @!p0 $0xFFFFF086;
	s6 =	sadd.s32 @!p0 s3, s7;
	s7 =	simm.s32 @!p0 $0x108  }
0x21: {  	s3 =	sadd.s32 s3, s9;
	s6 =	sadd.s32 @!p0 $0x88, s6;
	s7 =	simm.s32 @p2 $0x1082  }
0x22: {  	[simem:s7], [sflag:s8] =	dma.local @!p0 [hbm:s6], $0xF7A  }
0x23: {  	s9 =	sor.u32 $0xD0000000, s2;
	s6 =	simm.s32 $0x108;
	_ =	swait.ge @!p0 [sflag:s8], $0x0  }
0x24: {  	s3 =	sadd.s32 $0x88, s3;
	s6 =	simm.s32 @!p1 $0x1082;
	[sflag:s4] =	ssyncset.s32 $0xFFFFF086  }
0x25: {  	[simem:s6], [sflag:s4] =	dma.local [hbm:s3], $0xF7A  }
0x26: {  	[smem:$0x3F9A] =	sst s1;
	(tag) =	ssettag s2;
	_ =	strace s9  }
0x27: {  	s1 =	sld [smem:$0x3FAA]  }
0x28: {  	s2 =	sld [smem:$0x3FAB]  }
0x29: {  	s4 =	sld [smem:$0x3FAD]  }
0x2a: {  	p0 =	seq.s32 s5, $0x0;
	s5 =	sld [smem:$0x3FAE]  }
0x2b: {  	s6 =	sld [smem:$0x3FAF]  }
0x2c: {  	s7 =	sld [smem:$0x3FB0]  }
0x2d: {  	s3 =	simm.s32 $0x108;
	s8 =	sld [smem:$0x3FB1]  }
0x2e: {  	s3 =	simm.s32 @!p0 $0x1082;
	s9 =	sld [smem:$0x3FB2]  }
0x2f: {  	lr =	sadd.s32 s0, s3;
	s0 =	sld [smem:$0x3FA9]  }
0x30: {  	s3 =	sld [smem:$0x3FAC]  }
0x31: {  	[smem:$0x3FB5] =	sst s10  }
0x32: {  	s10 =	sld [smem:$0x3FB3];
	_ =	sdelay $0x3  }
0x33: {  	p0 =	seq.s32 s10, $0x1;
	s10 =	sld [smem:$0x3FB5];
	_ =	sdelay $0x3  }
0x34: {  	[smem:$0x3FB5] =	sst s10  }
0x35: {  	s10 =	sld [smem:$0x3FB4];
	_ =	sdelay $0x3  }
0x36: {  	p1 =	seq.s32 s10, $0x1;
	s10 =	sld [smem:$0x3FB5];
	_ =	sdelay $0x3  }
0x37: {  	[smem:$0x3FB5] =	sst s10  }
0x38: {  	s10 =	sld [smem:$0x3FB6]  }
0x39: {  	_ = 	snop;
	(pc) =	sbr.ind lr, $3  }
0x3a: {  	_ = 	snop  }
0x3b: {  	_ = 	snop  }
0x3c: {  	p2 =	seq.s32 s10, $0x1;
	s10 =	sld [smem:$0x3FB5]  }
0x3d: {  	_ =	shalt  }
0x3e: {  	_ =	shalt  }
0x3f: {  	_ =	shalt  }
0x40: {  	_ =	shalt  }
0x41: {  	_ =	shalt  }
0x42: {  	_ =	shalt  }
0x43: {  	_ =	shalt  }
0x44: {  	_ =	shalt  }
0x45: {  	_ =	shalt  }
0x46: {  	_ =	shalt  }
0x47: {  	_ =	shalt  }
0x48: {  	_ =	shalt  }
0x49: {  	_ =	shalt  }
0x4a: {  	_ =	shalt  }
0x4b: {  	_ =	shalt  }
0x4c: {  	_ =	shalt  }
0x4d: {  	_ =	shalt  }
0x4e: {  	_ =	shalt  }
0x4f: {  	_ =	shalt  }
0x50: {  	_ =	shalt  }
0x51: {  	_ =	shalt  }
0x52: {  	_ =	shalt  }
0x53: {  	_ =	shalt  }
0x54: {  	_ =	shalt  }
0x55: {  	_ =	shalt  }
0x56: {  	_ =	shalt  }
0x57: {  	_ =	shalt  }
0x58: {  	_ =	shalt  }
0x59: {  	_ =	shalt  }
0x5a: {  	_ =	shalt  }
0x5b: {  	_ =	shalt  }
0x5c: {  	_ =	shalt  }
0x5d: {  	_ =	shalt  }
0x5e: {  	_ =	shalt  }
0x5f: {  	_ =	shalt  }
0x60: {  	_ =	shalt  }
0x61: {  	_ =	shalt  }
0x62: {  	_ =	shalt  }
0x63: {  	_ =	shalt  }
0x64: {  	_ =	shalt  }
0x65: {  	_ =	shalt  }
0x66: {  	_ =	shalt  }
0x67: {  	_ =	shalt  }
0x68: {  	_ =	shalt  }
0x69: {  	_ =	shalt  }
0x6a: {  	_ =	shalt  }
0x6b: {  	_ =	shalt  }
0x6c: {  	_ =	shalt  }
0x6d: {  	_ =	shalt  }
0x6e: {  	_ =	shalt  }
0x6f: {  	_ =	shalt  }
0x70: {  	_ =	shalt  }
0x71: {  	_ =	shalt  }
0x72: {  	_ =	shalt  }
0x73: {  	_ =	shalt  }
0x74: {  	_ =	shalt  }
0x75: {  	_ =	shalt  }
0x76: {  	_ =	shalt  }
0x77: {  	_ =	shalt  }
0x78: {  	_ =	shalt  }
0x79: {  	_ =	shalt  }
0x7a: {  	_ =	shalt  }
0x7b: {  	_ =	shalt  }
0x7c: {  	_ =	shalt  }
0x7d: {  	_ =	shalt  }
0x7e: {  	_ =	shalt  }
0x7f: {  	_ =	shalt  }
0x80: {  	_ =	shalt  }
0x81: {  	_ =	shalt  }
0x82: {  	_ =	shalt  }
0x83: {  	_ =	shalt  }
0x84: {  	_ =	shalt  }
0x85: {  	_ =	shalt  }
0x86: {  	_ =	shalt  }
0x87: {  	_ =	shalt  }
.Lfunc_end0:
.L_simem_size_0:
called_computation_lowered:
.L_overlay_start_0:
0x88: {  	s2 =	sld [smem:$0x3FD9]  }
0x89: {  	s3 =	sld [smem:$0x3FFE];
	_ =	sdelay $0x1  }
0x8a: {  	s1 =	srdreg.scid  }
0x8b: {  	s0 =	sand.u32 $0x1, s1  }
0x8c: {  	s16 =	sshll.u32 s0, $0xA;
	s2 =	sadd.s32 s3, s2  }
0x8d: {  	s2 =	sadd.s32 s2, s16  }
0x8e: {  	[smem:$0x3FC1] =	sst s2  }
0x8f: {  	_ = 	snop  }
0x90: {  	(tm) =	ssettm $0x1  }
0x91: {  	s17 =	sld [smem:$0x3FFB];
	_ =	sdelay $0x3  }
0x92: {  	_ =	strace s17  }
0x93: {  	s2 =	sld [smem:$0x3FFC];
	_ =	sdelay $0x3  }
0x94: {  	_ =	strace s2  }
0x95: {  	s2 =	sld [smem:$0x3FFD];
	_ =	sdelay $0x3  }
0x96: {  	_ =	strace s2  }
0x97: {  	_ =	strace $0x8FFFFFFF  }
0x98: {  	s18 =	sld [smem:$0x3FDB];
	_ =	sdelay $0x1  }
0x99: {  	s19 =	simm.s32 $_scs_section_size  }
0x9a: {  	s4 =	simm.s32 $_size__tile_overlayer_lowered;
	s5 =	simm.s32 $_tile_overlayer_lowered  }
0x9b: {  	s22 =	simm.s32 $0x1BFF;
	s21 =	sshll.u32 s5, $0x1;
	s2 =	sadd.s32 s19, s18  }
0x9c: {  	s6 =	simm.s32 $0x0;
	s20 =	sshll.u32 s4, $0x1;
	s4 =	sadd.s32 s21, s2  }
0x9d: {  	[timem:s6], [sflag:s22] =	dma.local [hbm:s4], s20  }
0x9e: {  	_ =	swait.ge [sflag:s22], s20  }
0x9f: {  	s3 =	ssub.s32 $0x0, s20;
	[sflag:s22] =	ssyncset.done $0x0  }
0xa0: {  	[sflag:s22] =	ssyncadd.s32 s3;
	_ =	sdelay $0x1  }
0xa1: {  	s23 =	simm.s32 $0x1B8B  }
0xa2: {  	_ =	swait.ge [sflag:s23], $0x1  }
0xa3: {  	[sflag:s23] =	ssyncset.done $0x0  }
0xa4: {  	s25 =	simm.s32 $0x1B8E;
	s24 =	sld [smem:$0x3FFE];
	[sflag:s23] =	ssyncadd.s32 $0xFFFFFFFF  }
0xa5: {  	s26 =	simm.s32 $execute0_lowered;
	[smem:$0x3FD2] =	sst s25  }
0xa6: {  	s4 =	sshll.u32 s26, $0x1;
	_ =	strace $0x80000046;
	[dreg:$0x1] =	wrdreg $0xFFFFFFFF  }
0xa7: {  	s28 =	simm.s32 $_size_execute0_lowered;
	s2 =	sadd.s32 s2, s4;
	[dreg:$0x0] =	wrdreg $0x0  }
0xa8: {  	s4 =	sshll.u32 s28, $0x1;
	[dreg:$0x2] =	wrdreg s2  }
0xa9: {  	[dreg:$0x3] =	wrdreg s4  }
0xaa: {  	[dreg:$0x4] =	wrdreg $0xC0  }
0xab: {  	_ =	task [dreg:s6], $0x5FFFF  }
0xac: {  	[dreg:$0x1] =	wrdreg $0xFFFFFFFF  }
0xad: {  	[dreg:$0x0] =	wrdreg $0x60  }
0xae: {  	[dreg:$0x2] =	wrdreg s24  }
0xaf: {  	[dreg:$0x3] =	wrdreg $0x9  }
0xb0: {  	_ =	task.clear_ibuf [dreg:s6], $0x4FFFF;
	_ =	strace $0x90000046  }
0xb1: {  	s29 =	simm.s32 $0x9;
	_ =	strace $0x80000048  }
0xb2: {  	_ =	swait.ge [sflag:s29], $0x1  }
0xb3: {  	[sflag:s29] =	ssyncadd.s32 $0xFFFFFFFF  }
0xb4: {  	_ =	strace $0x90000048  }
0xb5: {  	_ =	sfence  }
0xb6: {  	s30 =	sld [smem:$0x0];
	_ =	sdelay $0x2  }
0xb7: {  	s31 =	sshll.u32 s1, $0xD;
	s1 =	sshrl.u32 s1, $0x2  }
0xb8: {  	s3 =	sand.u32 $0x4000, s31;
	s1 =	sadd.s32 s1, s30  }
0xb9: {  	s0 =	sor.u32 s3, s0;
	s1 =	sshll.u32 s1, $0x11  }
0xba: {  	s0 =	sor.u32 s1, s0  }
0xbb: {  	s0 =	sadd.s32 $0x8F2B, s0  }
0xbc: {  	[sflag:s0] =	ssyncadd.remote.s32 $0x1  }
0xbd: {  	_ =	sfence.sel $0xFFFF  }
0xbe: {  	[dreg:$0x0] =	wrdreg $0xFFFFFFFF;
	(pc) =	sbr.abs _section_cstart, $3  }
0xbf: {  	[dreg:$0x1] =	wrdreg $0xFFFFFFFF  }
0xc0: {  	_ =	task.clear_ibuf [dreg:s6], $0x2FFFF;
	_ =	strace $0x9FFFFFFF  }
0xc1: {  	(tm) =	ssettm $0x7FFFFFFF  }
tec
execute0_lowered:
.L_overlay_start_1:
0x0: {  	(tag) =	ssettag $0x1  }
0x1: {  	s1 =	srdreg.scid  }
0x2: {  	s0 =	stileid.u32;
	s3 =	rddreg [dreg:$0x0]  }
0x3: {  	s10 =	simm.s32 $0x80;
	s11 =	simm.s32 $0x400;
	s12 =	simm.s32 $0x1  }
0x4: {  	s13 =	simm.s32 $0x800;
	s4 =	sand.u32 $0x1, s1;
	s2 =	sshll.u32 s0, $0x1  }
0x5: {  	s1 =	rddreg [dreg:$0x1];
	s6 =	sshrl.u32 s0, $0x2;
	s5 =	sor.u32 s4, s2  }
0x6: {  	s2 =	simm.s32 $0x0;
	s6 =	smul.u32 $0x14000, s6;
	s4 =	ssub.s32 $0x2, s4  }
0x7: {  	s7 =	sshll.u32 s5, $0x7;
	[smem:$0x7FF] =	sst s2;
	s5 =	sshll.u32 s5, $0xB  }
0x8: {  	s30 =	sshrl.u32 s4, $0x1;
	s7 =	sand.u32 $0x380, s7;
	_ =	strace $0x80000047  }
0x9: {  	s9 =	sadd.s32 s5, s3;
	s31 =	ssub.s32 s4, s30;
	s6 =	sor.u32 s6, s7  }
0xa: {  	s5 =	smax.u32 s31, $0x1;
	s7 =	sadd.s32 $0x1420, s9;
	s6 =	sshrl.u32 s6, $0x3  }
0xb: {  	s8 =	sadd.s32 $0x1430, s9;
	s29 =	sadd.s32 s6, s3;
	s3 =	sadd.s32 $0x1400, s9  }
0xc: {  	v0 =	vimm.f32 $0.0e+00;
	v1 =	vimm.f32 $1.000000000e+00;
	s6 =	sadd.s32 $0x1410, s9;
	s9 =	sadd.s32 $0x1440, s9;
	s4 =	sadd.s32 $0x11400, s29  }
.LBB2_1:
0xd: {  	s14 =	simm.s32 $0x0;
	s15 =	simm.s32 $0x200  }
.LBB2_2:
0xe: {  	p0 =	sne.s32 s15, $0x9E00;
	[tilespmem:s14+$0x870] =	vst v0  }
0xf: {  	[tilespmem:s14+$0x800] =	vst v0  }
0x10: {  	[tilespmem:s14+$0x810] =	vst v0  }
.Ltmp0:
0x11: {  	[tilespmem:s14+$0x820] =	vst v0;
	(pc) =	sbr.rel @p0 .LBB2_2-.Ltmp0, $4  }
0x12: {  	[tilespmem:s14+$0x830] =	vst v0  }
0x13: {  	[tilespmem:s14+$0x840] =	vst v0  }
0x14: {  	[tilespmem:s14+$0x850] =	vst v0  }
0x15: {  	[tilespmem:s14+$0x860] =	vst v0;
	s14 =	sshra.s32 s15, $0x2;
	s15 =	sadd.s32 $0x200, s15  }
0x16: {  	[tilespmem:s14+$0x870] =	vst v0  }
0x17: {  	[tilespmem:s14+$0x800] =	vst v0  }
0x18: {  	[tilespmem:s14+$0x810] =	vst v0  }
0x19: {  	[tilespmem:s14+$0x820] =	vst v0  }
0x1a: {  	[tilespmem:s14+$0x830] =	vst v0  }
0x1b: {  	[tilespmem:s14+$0x840] =	vst v0  }
0x1c: {  	[tilespmem:s14+$0x850] =	vst v0  }
0x1d: {  	[tilespmem:s14+$0x860] =	vst v0;
	s14 =	simm.s32 $0x0  }
0x1e: {  	[tilespmem:s14], [sflag:$0x1] =	stream.strided.gather [hbm4b:s3+s10], $0x800, s11, s10, $0x38;
	[tilespmem:$0x3000] =	vst v63  }
0x1f: {  	_ =	swait.ge [sflag:s12], $0x800  }
0x20: {  	[sflag:s12] =	ssyncset.done $0x0  }
0x21: {  	[sflag:s12] =	ssyncadd.s32 $0xFFFFF800  }
.LBB2_4:
0x22: {  	s15 =	sshra.s32 s14, $0x2  }
0x23: {  	v2 =	vld [tilespmem:s15+$0x0];
	_ =	sdelay $0x7  }
0x24: {  	[tilespmem:v2+s13+$0x0] =	vst.idx.add.f32.msk $0xffff, v1  }
0x25: {  	v2 =	vld [tilespmem:s15+$0x10];
	_ =	sdelay $0x7  }
0x26: {  	[tilespmem:v2+s13+$0x0] =	vst.idx.add.f32.msk $0xffff, v1  }
0x27: {  	v2 =	vld [tilespmem:s15+$0x20];
	_ =	sdelay $0x7  }
0x28: {  	[tilespmem:v2+s13+$0x0] =	vst.idx.add.f32.msk $0xffff, v1  }
0x29: {  	v2 =	vld [tilespmem:s15+$0x30];
	_ =	sdelay $0x7  }
0x2a: {  	[tilespmem:v2+s13+$0x0] =	vst.idx.add.f32.msk $0xffff, v1  }
0x2b: {  	v2 =	vld [tilespmem:s15+$0x40];
	_ =	sdelay $0x2  }
0x2c: {  	p0 =	sne.s32 s14, $0x1E00  }
.Ltmp1:
0x2d: {  	_ = 	snop;
	(pc) =	sbr.rel @p0 .LBB2_4-.Ltmp1, $2  }
0x2e: {  	_ =	sdelay $0x2  }
0x2f: {  	s14 =	sadd.s32 $0x140, s14;
	[tilespmem:v2+s13+$0x0] =	vst.idx.add.f32.msk $0xffff, v1  }
0x30: {  	s14 =	simm.s32 $0x0  }
0x31: {  	[tilespmem:s14], [sflag:$0x1] =	stream.strided.gather [hbm4b:s6+s10], $0x800, s11, s10, $0x38;
	[tilespmem:$0x3000] =	vst v63  }
0x32: {  	_ =	swait.ge [sflag:s12], $0x800  }
0x33: {  	[sflag:s12] =	ssyncset.done $0x0  }
0x34: {  	[sflag:s12] =	ssyncadd.s32 $0xFFFFF800  }
.LBB2_6:
0x35: {  	s15 =	sshra.s32 s14, $0x2  }
0x36: {  	v2 =	vld [tilespmem:s15+$0x0];
	_ =	sdelay $0x7  }
0x37: {  	[tilespmem:v2+s13+$0x0] =	vst.idx.add.f32.msk $0xffff, v1  }
0x38: {  	v2 =	vld [tilespmem:s15+$0x10];
	_ =	sdelay $0x7  }
0x39: {  	[tilespmem:v2+s13+$0x0] =	vst.idx.add.f32.msk $0xffff, v1  }
0x3a: {  	v2 =	vld [tilespmem:s15+$0x20];
	_ =	sdelay $0x7  }
0x3b: {  	[tilespmem:v2+s13+$0x0] =	vst.idx.add.f32.msk $0xffff, v1  }
0x3c: {  	v2 =	vld [tilespmem:s15+$0x30];
	_ =	sdelay $0x7  }
0x3d: {  	[tilespmem:v2+s13+$0x0] =	vst.idx.add.f32.msk $0xffff, v1  }
0x3e: {  	v2 =	vld [tilespmem:s15+$0x40];
	_ =	sdelay $0x2  }
0x3f: {  	p0 =	sne.s32 s14, $0x1E00  }
.Ltmp2:
0x40: {  	_ = 	snop;
	(pc) =	sbr.rel @p0 .LBB2_6-.Ltmp2, $2  }
0x41: {  	_ =	sdelay $0x2  }
0x42: {  	s14 =	sadd.s32 $0x140, s14;
	[tilespmem:v2+s13+$0x0] =	vst.idx.add.f32.msk $0xffff, v1  }
0x43: {  	s14 =	simm.s32 $0x0  }
0x44: {  	[tilespmem:s14], [sflag:$0x1] =	stream.strided.gather [hbm4b:s7+s10], $0x800, s11, s10, $0x38;
	[tilespmem:$0x3000] =	vst v63  }
0x45: {  	_ =	swait.ge [sflag:s12], $0x800  }
0x46: {  	[sflag:s12] =	ssyncset.done $0x0  }
0x47: {  	[sflag:s12] =	ssyncadd.s32 $0xFFFFF800  }
.LBB2_8:
0x48: {  	s15 =	sshra.s32 s14, $0x2  }
0x49: {  	v2 =	vld [tilespmem:s15+$0x0];
	_ =	sdelay $0x7  }
0x4a: {  	[tilespmem:v2+s13+$0x0] =	vst.idx.add.f32.msk $0xffff, v1  }
0x4b: {  	v2 =	vld [tilespmem:s15+$0x10];
	_ =	sdelay $0x7  }
0x4c: {  	[tilespmem:v2+s13+$0x0] =	vst.idx.add.f32.msk $0xffff, v1  }
0x4d: {  	v2 =	vld [tilespmem:s15+$0x20];
	_ =	sdelay $0x7  }
0x4e: {  	[tilespmem:v2+s13+$0x0] =	vst.idx.add.f32.msk $0xffff, v1  }
0x4f: {  	v2 =	vld [tilespmem:s15+$0x30];
	_ =	sdelay $0x7  }
0x50: {  	[tilespmem:v2+s13+$0x0] =	vst.idx.add.f32.msk $0xffff, v1  }
0x51: {  	v2 =	vld [tilespmem:s15+$0x40];
	_ =	sdelay $0x2  }
0x52: {  	p0 =	sne.s32 s14, $0x1E00  }
.Ltmp3:
0x53: {  	_ = 	snop;
	(pc) =	sbr.rel @p0 .LBB2_8-.Ltmp3, $2  }
0x54: {  	_ =	sdelay $0x2  }
0x55: {  	s14 =	sadd.s32 $0x140, s14;
	[tilespmem:v2+s13+$0x0] =	vst.idx.add.f32.msk $0xffff, v1  }
0x56: {  	s14 =	simm.s32 $0x0  }
0x57: {  	[tilespmem:s14], [sflag:$0x1] =	stream.strided.gather [hbm4b:s8+s10], $0x800, s11, s10, $0x38;
	[tilespmem:$0x3000] =	vst v63  }
0x58: {  	_ =	swait.ge [sflag:s12], $0x800  }
0x59: {  	[sflag:s12] =	ssyncset.done $0x0  }
0x5a: {  	[sflag:s12] =	ssyncadd.s32 $0xFFFFF800  }
.LBB2_10:
0x5b: {  	s15 =	sshra.s32 s14, $0x2  }
0x5c: {  	v2 =	vld [tilespmem:s15+$0x0];
	_ =	sdelay $0x7  }
0x5d: {  	[tilespmem:v2+s13+$0x0] =	vst.idx.add.f32.msk $0xffff, v1  }
0x5e: {  	v2 =	vld [tilespmem:s15+$0x10];
	_ =	sdelay $0x7  }
0x5f: {  	[tilespmem:v2+s13+$0x0] =	vst.idx.add.f32.msk $0xffff, v1  }
0x60: {  	v2 =	vld [tilespmem:s15+$0x20];
	_ =	sdelay $0x7  }
0x61: {  	[tilespmem:v2+s13+$0x0] =	vst.idx.add.f32.msk $0xffff, v1  }
0x62: {  	v2 =	vld [tilespmem:s15+$0x30];
	_ =	sdelay $0x7  }
0x63: {  	[tilespmem:v2+s13+$0x0] =	vst.idx.add.f32.msk $0xffff, v1  }
0x64: {  	v2 =	vld [tilespmem:s15+$0x40];
	_ =	sdelay $0x2  }
0x65: {  	p0 =	sne.s32 s14, $0x1E00  }
.Ltmp4:
0x66: {  	_ = 	snop;
	(pc) =	sbr.rel @p0 .LBB2_10-.Ltmp4, $2  }
0x67: {  	_ =	sdelay $0x2  }
0x68: {  	s14 =	sadd.s32 $0x140, s14;
	[tilespmem:v2+s13+$0x0] =	vst.idx.add.f32.msk $0xffff, v1  }
0x69: {  	s14 =	simm.s32 $0x0  }
0x6a: {  	[tilespmem:s14], [sflag:$0x1] =	stream.strided.gather [hbm4b:s9+s10], $0x800, s11, s10, $0x38;
	[tilespmem:$0x3000] =	vst v63  }
0x6b: {  	_ =	swait.ge [sflag:s12], $0x800  }
0x6c: {  	[sflag:s12] =	ssyncset.done $0x0  }
0x6d: {  	[sflag:s12] =	ssyncadd.s32 $0xFFFFF800  }
.LBB2_12:
0x6e: {  	s15 =	sshra.s32 s14, $0x2  }
0x6f: {  	v2 =	vld [tilespmem:s15+$0x0];
	_ =	sdelay $0x7  }
0x70: {  	[tilespmem:v2+s13+$0x0] =	vst.idx.add.f32.msk $0xffff, v1  }
0x71: {  	v2 =	vld [tilespmem:s15+$0x10];
	_ =	sdelay $0x7  }
0x72: {  	[tilespmem:v2+s13+$0x0] =	vst.idx.add.f32.msk $0xffff, v1  }
0x73: {  	v2 =	vld [tilespmem:s15+$0x20];
	_ =	sdelay $0x7  }
0x74: {  	[tilespmem:v2+s13+$0x0] =	vst.idx.add.f32.msk $0xffff, v1  }
0x75: {  	v2 =	vld [tilespmem:s15+$0x30];
	_ =	sdelay $0x7  }
0x76: {  	[tilespmem:v2+s13+$0x0] =	vst.idx.add.f32.msk $0xffff, v1  }
0x77: {  	v2 =	vld [tilespmem:s15+$0x40];
	_ =	sdelay $0x2  }
0x78: {  	p0 =	sne.s32 s14, $0x1E00  }
.Ltmp5:
0x79: {  	_ = 	snop;
	(pc) =	sbr.rel @p0 .LBB2_12-.Ltmp5, $2  }
0x7a: {  	_ =	sdelay $0x2  }
0x7b: {  	s14 =	sadd.s32 $0x140, s14;
	[tilespmem:v2+s13+$0x0] =	vst.idx.add.f32.msk $0xffff, v1  }
0x7c: {  	s2 =	sadd.s32 $0x1, s2  }
0x7d: {  	p0 =	sne.s32 s2, s5  }
.Ltmp6:
0x7e: {  	_ = 	snop;
	(pc) =	sbr.rel @p0 .LBB2_1-.Ltmp6, $4  }
0x7f: {  	[hbm4b:s4+s10] =	stream.strided.scatter [tilespmem:s13], [sflag:$0x1], $0x2800, s11, s10, $0x38;
	[tilespmem:$0x3000] =	vst v63  }
0x80: {  	_ =	swait.ge [sflag:s12], $0x2800  }
0x81: {  	[sflag:s12] =	ssyncset.done $0x0  }
0x82: {  	[sflag:s12] =	ssyncadd.s32 $0xFFFFD800  }
0x83: {  	_ =	sfence.sel $0x180000  }
0x84: {  	[bflag:$0x0] =	sbarrier.arrive $0xFFFF  }
0x85: {  	p0 =	sne.s32 s0, $0x0;
	_ =	strace $0x90000047  }
0x86: {  	s0 =	sadd.s32 @!p0 $0x100000, s1;
	[bflag:$0x2] =	sbarrier.arrive $0xFFFF  }
0x87: {  	[sflag:s0] =	ssyncadd.tile.s32 @!p0 $0x1;
	_ =	shalt  }
.Lfunc_end2:
_tile_overlayer_lowered:
.L_overlay_start_2:
0x88: {  	(tag) =	ssettag $0x2  }
0x89: {  	s0 =	rddreg [dreg:$0x0];
	s2 =	stileid.u32  }
0x8a: {  	s1 =	rddreg [dreg:$0x1];
	p0 =	sne.s32 s2, $0x0  }
0x8b: {  	s3 =	rddreg [dreg:$0x2];
	[bflag:$0x3] =	sbarrier.arrive $0xFFFF;
	s2 =	simm.s32 @!p0 $0x1C01  }
0x8c: {  	[timem:s3], [sflag:s2] =	dma.local @!p0 [hbm:s0], s1  }
0x8d: {  	s0 =	simm.s32 @!p0 $0x1  }
0x8e: {  	_ =	swait.ge @!p0 [sflag:s0], s1  }
0x8f: {  	s1 =	ssub.s32 @!p0 $0x0, s1;
	[sflag:s0] =	ssyncset.done @!p0 $0x0  }
0x90: {  	[sflag:s0] =	ssyncadd.s32 @!p0 s1  }
0x91: {  	[bflag:$0x3] =	sbarrier.arrive $0xFFFF  }
0x92: {  	_ =	shalt  }

// kernel: kernel.9.cloned.1.call-start
scs
__scs_entry_jumppad:
0x0: {  	(pc) =	sbr.rel $0x88, $3  }
0x1: {  	(tag) =	ssettag $0x0;
	lr =	simm.s32 $0x1  }
0x2: {  	[smem:$0x3F9A] =	sst lr;
	_ =	strace $0xD0000000  }
0x3: {  	_ = 	snop  }
0x4: {  	_ = 	snop  }
0x5: {  	_ = 	snop  }
0x6: {  	_ = 	snop  }
0x7: {  	_ = 	snop  }
__scs_overlays_trampoline_lowered:
0x8: {  	[smem:$0x3FA9] =	sst s0  }
0x9: {  	[smem:$0x3FAA] =	sst s1  }
0xa: {  	[smem:$0x3FAB] =	sst s2  }
0xb: {  	[smem:$0x3FAC] =	sst s3  }
0xc: {  	[smem:$0x3FAD] =	sst s4  }
0xd: {  	[smem:$0x3FAE] =	sst s5  }
0xe: {  	[smem:$0x3FAF] =	sst s6  }
0xf: {  	[smem:$0x3FB0] =	sst s7  }
0x10: {  	[smem:$0x3FB1] =	sst s8  }
0x11: {  	[smem:$0x3FB2] =	sst s9;
	s0 =	simm.s32 @!p0 $0x0  }
0x12: {  	s1 =	sld [smem:$0x3F98];
	s0 =	simm.s32 @p0 $0x1  }
0x13: {  	[smem:$0x3FB3] =	sst s0;
	s0 =	simm.s32 @!p1 $0x0  }
0x14: {  	s2 =	sld [smem:$0x3F97];
	s0 =	simm.s32 @p1 $0x1  }
0x15: {  	[smem:$0x3FB4] =	sst s0;
	s0 =	simm.s32 @!p2 $0x0  }
0x16: {  	s3 =	sld [smem:$0x3FDB];
	s0 =	simm.s32 @p2 $0x1  }
0x17: {  	s4 =	simm.s32 $0x1BF5;
	[smem:$0x3FB6] =	sst s0  }
0x18: {  	s0 =	sld [smem:$0x3F99];
	_ =	swait.ge [sflag:s4], $0x0  }
0x19: {  	s7 =	sld [smem:$0x3F9A]  }
0x1a: {  	s8 =	sadd.s32 $0xFFFFE003, lr  }
0x1b: {  	s9 =	sadd.s32 $0xFFFFFEF7, lr;
	s5 =	simm.s32 $0xFFFFFFFF;
	p2 =	slt.u32 s8, $0xFFFFF086  }
0x1c: {  	p1 =	slt.u32 s9, $0xF7A;
	s5 =	simm.s32 @!p2 $0x0  }
0x1d: {  	s5 =	simm.s32 @p1 $0x1;
	p0 =	seq.s32 s7, s2  }
0x1e: {  	s7 =	smul.u32 @!p0 $0xF7A, s2;
	p2 =	seq.s32 @!p0 s5, $0x0  }
0x1f: {  	s9 =	smul.u32 $0xF7A, s1;
	s8 =	simm.s32 @!p0 $0x1BF5;
	p2 =	por !p2, p0  }
0x20: {  	[sflag:s8] =	ssyncset.s32 @!p0 $0xFFFFF086;
	s6 =	sadd.s32 @!p0 s3, s7;
	s7 =	simm.s32 @!p0 $0x108  }
0x21: {  	s3 =	sadd.s32 s3, s9;
	s6 =	sadd.s32 @!p0 $0x88, s6;
	s7 =	simm.s32 @p2 $0x1082  }
0x22: {  	[simem:s7], [sflag:s8] =	dma.local @!p0 [hbm:s6], $0xF7A  }
0x23: {  	s9 =	sor.u32 $0xD0000000, s2;
	s6 =	simm.s32 $0x108;
	_ =	swait.ge @!p0 [sflag:s8], $0x0  }
0x24: {  	s3 =	sadd.s32 $0x88, s3;
	s6 =	simm.s32 @!p1 $0x1082;
	[sflag:s4] =	ssyncset.s32 $0xFFFFF086  }
0x25: {  	[simem:s6], [sflag:s4] =	dma.local [hbm:s3], $0xF7A  }
0x26: {  	[smem:$0x3F9A] =	sst s1;
	(tag) =	ssettag s2;
	_ =	strace s9  }
0x27: {  	s1 =	sld [smem:$0x3FAA]  }
0x28: {  	s2 =	sld [smem:$0x3FAB]  }
0x29: {  	s4 =	sld [smem:$0x3FAD]  }
0x2a: {  	p0 =	seq.s32 s5, $0x0;
	s5 =	sld [smem:$0x3FAE]  }
0x2b: {  	s6 =	sld [smem:$0x3FAF]  }
0x2c: {  	s7 =	sld [smem:$0x3FB0]  }
0x2d: {  	s3 =	simm.s32 $0x108;
	s8 =	sld [smem:$0x3FB1]  }
0x2e: {  	s3 =	simm.s32 @!p0 $0x1082;
	s9 =	sld [smem:$0x3FB2]  }
0x2f: {  	lr =	sadd.s32 s0, s3;
	s0 =	sld [smem:$0x3FA9]  }
0x30: {  	s3 =	sld [smem:$0x3FAC]  }
0x31: {  	[smem:$0x3FB5] =	sst s10  }
0x32: {  	s10 =	sld [smem:$0x3FB3];
	_ =	sdelay $0x3  }
0x33: {  	p0 =	seq.s32 s10, $0x1;
	s10 =	sld [smem:$0x3FB5];
	_ =	sdelay $0x3  }
0x34: {  	[smem:$0x3FB5] =	sst s10  }
0x35: {  	s10 =	sld [smem:$0x3FB4];
	_ =	sdelay $0x3  }
0x36: {  	p1 =	seq.s32 s10, $0x1;
	s10 =	sld [smem:$0x3FB5];
	_ =	sdelay $0x3  }
0x37: {  	[smem:$0x3FB5] =	sst s10  }
0x38: {  	s10 =	sld [smem:$0x3FB6]  }
0x39: {  	_ = 	snop;
	(pc) =	sbr.ind lr, $3  }
0x3a: {  	_ = 	snop  }
0x3b: {  	_ = 	snop  }
0x3c: {  	p2 =	seq.s32 s10, $0x1;
	s10 =	sld [smem:$0x3FB5]  }
0x3d: {  	_ =	shalt  }
0x3e: {  	_ =	shalt  }
0x3f: {  	_ =	shalt  }
0x40: {  	_ =	shalt  }
0x41: {  	_ =	shalt  }
0x42: {  	_ =	shalt  }
0x43: {  	_ =	shalt  }
0x44: {  	_ =	shalt  }
0x45: {  	_ =	shalt  }
0x46: {  	_ =	shalt  }
0x47: {  	_ =	shalt  }
0x48: {  	_ =	shalt  }
0x49: {  	_ =	shalt  }
0x4a: {  	_ =	shalt  }
0x4b: {  	_ =	shalt  }
0x4c: {  	_ =	shalt  }
0x4d: {  	_ =	shalt  }
0x4e: {  	_ =	shalt  }
0x4f: {  	_ =	shalt  }
0x50: {  	_ =	shalt  }
0x51: {  	_ =	shalt  }
0x52: {  	_ =	shalt  }
0x53: {  	_ =	shalt  }
0x54: {  	_ =	shalt  }
0x55: {  	_ =	shalt  }
0x56: {  	_ =	shalt  }
0x57: {  	_ =	shalt  }
0x58: {  	_ =	shalt  }
0x59: {  	_ =	shalt  }
0x5a: {  	_ =	shalt  }
0x5b: {  	_ =	shalt  }
0x5c: {  	_ =	shalt  }
0x5d: {  	_ =	shalt  }
0x5e: {  	_ =	shalt  }
0x5f: {  	_ =	shalt  }
0x60: {  	_ =	shalt  }
0x61: {  	_ =	shalt  }
0x62: {  	_ =	shalt  }
0x63: {  	_ =	shalt  }
0x64: {  	_ =	shalt  }
0x65: {  	_ =	shalt  }
0x66: {  	_ =	shalt  }
0x67: {  	_ =	shalt  }
0x68: {  	_ =	shalt  }
0x69: {  	_ =	shalt  }
0x6a: {  	_ =	shalt  }
0x6b: {  	_ =	shalt  }
0x6c: {  	_ =	shalt  }
0x6d: {  	_ =	shalt  }
0x6e: {  	_ =	shalt  }
0x6f: {  	_ =	shalt  }
0x70: {  	_ =	shalt  }
0x71: {  	_ =	shalt  }
0x72: {  	_ =	shalt  }
0x73: {  	_ =	shalt  }
0x74: {  	_ =	shalt  }
0x75: {  	_ =	shalt  }
0x76: {  	_ =	shalt  }
0x77: {  	_ =	shalt  }
0x78: {  	_ =	shalt  }
0x79: {  	_ =	shalt  }
0x7a: {  	_ =	shalt  }
0x7b: {  	_ =	shalt  }
0x7c: {  	_ =	shalt  }
0x7d: {  	_ =	shalt  }
0x7e: {  	_ =	shalt  }
0x7f: {  	_ =	shalt  }
0x80: {  	_ =	shalt  }
0x81: {  	_ =	shalt  }
0x82: {  	_ =	shalt  }
0x83: {  	_ =	shalt  }
0x84: {  	_ =	shalt  }
0x85: {  	_ =	shalt  }
0x86: {  	_ =	shalt  }
0x87: {  	_ =	shalt  }
.Lfunc_end0:
.L_simem_size_0:
called_computation.1_lowered:
.L_overlay_start_0:
0x88: {  	s2 =	sld [smem:$0x3FD9]  }
0x89: {  	s3 =	sld [smem:$0x3FFE];
	_ =	sdelay $0x1  }
0x8a: {  	s1 =	srdreg.scid  }
0x8b: {  	s0 =	sand.u32 $0x1, s1  }
0x8c: {  	s16 =	sshll.u32 s0, $0xA;
	s2 =	sadd.s32 s3, s2  }
0x8d: {  	s2 =	sadd.s32 s2, s16  }
0x8e: {  	[smem:$0x3FC1] =	sst s2  }
0x8f: {  	_ = 	snop  }
0x90: {  	(tm) =	ssettm $0x1  }
0x91: {  	s17 =	sld [smem:$0x3FFB];
	_ =	sdelay $0x3  }
0x92: {  	_ =	strace s17  }
0x93: {  	s2 =	sld [smem:$0x3FFC];
	_ =	sdelay $0x3  }
0x94: {  	_ =	strace s2  }
0x95: {  	s2 =	sld [smem:$0x3FFD];
	_ =	sdelay $0x3  }
0x96: {  	_ =	strace s2  }
0x97: {  	_ =	strace $0x8FFFFFFF  }
0x98: {  	s18 =	sld [smem:$0x3FDB];
	_ =	sdelay $0x1  }
0x99: {  	s19 =	simm.s32 $_scs_section_size  }
0x9a: {  	s4 =	simm.s32 $_size__tile_overlayer_lowered;
	s5 =	simm.s32 $_tile_overlayer_lowered  }
0x9b: {  	s22 =	simm.s32 $0x1BFF;
	s21 =	sshll.u32 s5, $0x1;
	s2 =	sadd.s32 s19, s18  }
0x9c: {  	s6 =	simm.s32 $0x0;
	s20 =	sshll.u32 s4, $0x1;
	s4 =	sadd.s32 s21, s2  }
0x9d: {  	[timem:s6], [sflag:s22] =	dma.local [hbm:s4], s20  }
0x9e: {  	_ =	swait.ge [sflag:s22], s20  }
0x9f: {  	s3 =	ssub.s32 $0x0, s20;
	[sflag:s22] =	ssyncset.done $0x0  }
0xa0: {  	[sflag:s22] =	ssyncadd.s32 s3;
	_ =	sdelay $0x1  }
0xa1: {  	s23 =	simm.s32 $0x1B8B  }
0xa2: {  	_ =	swait.ge [sflag:s23], $0x1  }
0xa3: {  	[sflag:s23] =	ssyncset.done $0x0  }
0xa4: {  	s25 =	simm.s32 $0x1B8E;
	s24 =	sld [smem:$0x3FFE];
	[sflag:s23] =	ssyncadd.s32 $0xFFFFFFFF  }
0xa5: {  	s26 =	simm.s32 $execute0_lowered;
	[smem:$0x3FD2] =	sst s25  }
0xa6: {  	s4 =	sshll.u32 s26, $0x1;
	_ =	strace $0x80000049;
	[dreg:$0x1] =	wrdreg $0xFFFFFFFF  }
0xa7: {  	s28 =	simm.s32 $_size_execute0_lowered;
	s2 =	sadd.s32 s2, s4;
	[dreg:$0x0] =	wrdreg $0x0  }
0xa8: {  	s4 =	sshll.u32 s28, $0x1;
	[dreg:$0x2] =	wrdreg s2  }
0xa9: {  	[dreg:$0x3] =	wrdreg s4  }
0xaa: {  	[dreg:$0x4] =	wrdreg $0xC0  }
0xab: {  	_ =	task [dreg:s6], $0x5FFFF  }
0xac: {  	[dreg:$0x1] =	wrdreg $0xFFFFFFFF  }
0xad: {  	[dreg:$0x0] =	wrdreg $0x60  }
0xae: {  	[dreg:$0x2] =	wrdreg s24  }
0xaf: {  	[dreg:$0x3] =	wrdreg $0xB4000  }
0xb0: {  	[dreg:$0x4] =	wrdreg $0x9  }
0xb1: {  	_ =	task.clear_ibuf [dreg:s6], $0x5FFFF;
	_ =	strace $0x90000049  }
0xb2: {  	s29 =	simm.s32 $0x9;
	_ =	strace $0x8000004B  }
0xb3: {  	_ =	swait.ge [sflag:s29], $0x1  }
0xb4: {  	[sflag:s29] =	ssyncadd.s32 $0xFFFFFFFF  }
0xb5: {  	_ =	strace $0x9000004B  }
0xb6: {  	_ =	sfence  }
0xb7: {  	s30 =	sld [smem:$0x0];
	_ =	sdelay $0x2  }
0xb8: {  	s31 =	sshll.u32 s1, $0xD;
	s1 =	sshrl.u32 s1, $0x2  }
0xb9: {  	s3 =	sand.u32 $0x4000, s31;
	s1 =	sadd.s32 s1, s30  }
0xba: {  	s0 =	sor.u32 s3, s0;
	s1 =	sshll.u32 s1, $0x11  }
0xbb: {  	s0 =	sor.u32 s1, s0  }
0xbc: {  	s0 =	sadd.s32 $0x8F2B, s0  }
0xbd: {  	[sflag:s0] =	ssyncadd.remote.s32 $0x1  }
0xbe: {  	_ =	sfence.sel $0xFFFF  }
0xbf: {  	[dreg:$0x0] =	wrdreg $0xFFFFFFFF;
	(pc) =	sbr.abs _section_cstart, $3  }
0xc0: {  	[dreg:$0x1] =	wrdreg $0xFFFFFFFF  }
0xc1: {  	_ =	task.clear_ibuf [dreg:s6], $0x2FFFF;
	_ =	strace $0x9FFFFFFF  }
0xc2: {  	(tm) =	ssettm $0x7FFFFFFF  }
0xc3: {  	_ =	shalt  }
tec
execute0_lowered:
.L_overlay_start_1:
0x0: {  	(tag) =	ssettag $0x1  }
0x1: {  	s0 =	srdreg.scid  }
0x2: {  	s8 =	stileid.u32;
	s1 =	rddreg [dreg:$0x0]  }
0x3: {  	s2 =	rddreg [dreg:$0x1];
	s7 =	smul.u32 $0x50000, s8  }
0x4: {  	s4 =	simm.s32 $0x0;
	s28 =	simm.s32 $0xB;
	s9 =	smul.u32 $0x2800, s8  }
0x5: {  	s29 =	simm.s32 $0x1400;
	[smem:$0x7FF] =	sst s4;
	s4 =	sadd.s32 $0x4D400, s1  }
0x6: {  	s30 =	simm.s32 $0x32;
	s25 =	sshrl.u32 s7, $0x2;
	s26 =	sadd.s32 s4, s9  }
0x7: {  	_ =	strace $0x8000004A;
	s25 =	sadd.s32 s25, s2;
	[dreg:$0x4] =	wrdreg s26  }
0x8: {  	s31 =	simm.s32 $0x9;
	s11 =	sadd.s32 $0x1400, s25;
	[dreg:$0x3] =	wrdreg s25  }
0x9: {  	s0 =	sand.u32 $0x1, s0;
	s12 =	sadd.s32 $0x2800, s25;
	[dreg:$0x6] =	wrdreg s11  }
0xa: {  	s3 =	sshll.u32 s8, $0x1;
	s13 =	sadd.s32 $0x3C00, s25;
	[dreg:$0x7] =	wrdreg s12  }
0xb: {  	s3 =	sor.u32 s0, s3;
	s14 =	sadd.s32 $0x5000, s25;
	[dreg:$0x8] =	wrdreg s13  }
0xc: {  	s5 =	smul.u32 $0x28000, s0;
	s15 =	sadd.s32 $0x6400, s25;
	[dreg:$0x9] =	wrdreg s14  }
0xd: {  	s6 =	ssub.s32 $0x2, s0;
	s16 =	sadd.s32 $0x7800, s25;
	[dreg:$0xa] =	wrdreg s15  }
0xe: {  	p0 =	seq.s32 s0, $0x1;
	s17 =	sadd.s32 $0x8C00, s25;
	[dreg:$0xb] =	wrdreg s16  }
0xf: {  	s3 =	smul.u32 $0xC80, s3;
	s18 =	sadd.s32 $0xA000, s25;
	[dreg:$0xc] =	wrdreg s17  }
0x10: {  	s24 =	sshrl.u32 s6, $0x1;
	s19 =	sadd.s32 $0xB400, s25;
	[dreg:$0xd] =	wrdreg s18  }
0x11: {  	s3 =	sadd.s32 s3, s1;
	s20 =	sadd.s32 $0xC800, s25;
	[dreg:$0xe] =	wrdreg s19  }
0x12: {  	s1 =	sadd.s32 s5, s1;
	s21 =	sadd.s32 $0xDC00, s25;
	[dreg:$0xf] =	wrdreg s20  }
0x13: {  	s5 =	ssub.s32 s6, s24;
	s22 =	sadd.s32 $0xF000, s25;
	[dreg:$0x10] =	wrdreg s21  }
0x14: {  	s23 =	sadd.s32 $0x10400, s25;
	s24 =	sadd.s32 $0x11800, s25;
	[dreg:$0x11] =	wrdreg s22  }
0x15: {  	s26 =	sadd.s32 $0x12C00, s25;
	s7 =	sadd.s32 $0x34400, s3;
	[dreg:$0x12] =	wrdreg s23  }
0x16: {  	s8 =	sadd.s32 $0x1B400, s3;
	s6 =	sadd.s32 $0x75400, s1;
	[dreg:$0x13] =	wrdreg s24  }
0x17: {  	s10 =	smax.u32 s5, $0x1;
	[dreg:$0x15] =	wrdreg s26;
	s26 =	simm.s32 $0x2800  }
0x18: {  	s1 =	simm.s32 $0x4400;
	s11 =	simm.s32 $0x7C00;
	s12 =	simm.s32 $0x1  }
0x19: {  	s14 =	simm.s32 $0x9800;
	s15 =	simm.s32 $0x2;
	s17 =	simm.s32 $0x6  }
0x1a: {  	s19 =	simm.s32 $0x3;
	s21 =	simm.s32 $0x7;
	s23 =	simm.s32 $0x4  }
0x1b: {  	s24 =	simm.s32 $0x5;
	s5 =	simm.s32 $0x1600;
	s3 =	simm.s32 $0xA  }
0x1c: {  	s13 =	simm.s32 $0x2780;
	s18 =	simm.s32 $0x0;
	[dreg:$0x5] =	wrdreg s10  }
0x1d: {  	s0 =	sadd.s32 s9, s6;
	s6 =	simm.s32 $0x6000;
	s9 =	simm.s32 $0x380  }
0x1e: {  	v0 =	vimm.f32 $0.0e+00;
	s10 =	simm.s32 $0x1380;
	[dreg:$0x14] =	wrdreg s0;
	s0 =	simm.s32 $0x8  }
.LBB2_1:
.Ltmp0:
0x1f: {  	(pc) =	sbr.rel @!p0 .LBB2_2-.Ltmp0, $2  }
0x20: {  	_ =	sdelay $0x2  }
0x21: {  	[dreg:$0x16] =	wrdreg s18  }
0x22: {  	s18 =	simm.s32 $0x0  }
0x23: {  	s16 =	sand.u32 $0x7E00, s18  }
0x24: {  	s18 =	sand.u32 $0x70, s18;
	s20 =	sshrl.u32 s16, $0x2  }
0x25: {  	s16 =	simm.s32 $0x40;
	s20 =	sor.u32 s18, s20;
	s18 =	simm.s32 $0x0  }
.LBB2_4:
0x26: {  	p1 =	seq.s32 s16, $0x63C0  }
0x27: {  	[tilespmem:s20+$0x2800] =	vst v0;
	s18 =	sadd.s32 $0x10, s18;
	s20 =	smov.u32 s16;
	s16 =	sadd.s32 $0x40, s16  }
.Ltmp1:
0x28: {  	(pc) =	sbr.rel @!p1 .LBB2_4-.Ltmp1, $4  }
0x29: {  	_ = 	snop  }
0x2a: {  	s20 =	sand.u32 $0x7E00, s20  }
0x2b: {  	s22 =	sand.u32 $0x70, s18;
	s20 =	sshrl.u32 s20, $0x2  }
0x2c: {  	s20 =	sor.u32 s22, s20  }
0x2d: {  	[tilespmem:s20+$0x2800] =	vst v0  }
0x2e: {  	[spmem:s25] =	stream.linear.scatter [tilespmem:s26], [sflag:$0xB], $0x1400, $0x38;
	[tilespmem:$0x1F400] =	vst v63  }
0x2f: {  	_ =	swait.ge [sflag:s28], $0x1400  }
0x30: {  	[sflag:s28] =	ssyncset.done $0x0  }
0x31: {  	s16 =	rddreg [dreg:$0x6];
	[sflag:s28] =	ssyncadd.s32 $0xFFFFEC00  }
0x32: {  	[spmem:s16] =	stream.linear.scatter [tilespmem:s26], [sflag:$0xB], $0x1400, $0x38;
	[tilespmem:$0x1F400] =	vst v63  }
0x33: {  	_ =	swait.ge [sflag:s28], $0x1400  }
0x34: {  	[sflag:s28] =	ssyncset.done $0x0  }
0x35: {  	s22 =	rddreg [dreg:$0x7];
	[sflag:s28] =	ssyncadd.s32 $0xFFFFEC00  }
0x36: {  	[spmem:s22] =	stream.linear.scatter [tilespmem:s26], [sflag:$0xB], $0x1400, $0x38;
	[tilespmem:$0x1F400] =	vst v63  }
0x37: {  	_ =	swait.ge [sflag:s28], $0x1400  }
0x38: {  	[sflag:s28] =	ssyncset.done $0x0  }
0x39: {  	s25 =	rddreg [dreg:$0x8];
	[sflag:s28] =	ssyncadd.s32 $0xFFFFEC00  }
0x3a: {  	[spmem:s25] =	stream.linear.scatter [tilespmem:s26], [sflag:$0xB], $0x1400, $0x38;
	[tilespmem:$0x1F400] =	vst v63  }
0x3b: {  	_ =	swait.ge [sflag:s28], $0x1400  }
0x3c: {  	[sflag:s28] =	ssyncset.done $0x0  }
0x3d: {  	s18 =	rddreg [dreg:$0x9];
	[sflag:s28] =	ssyncadd.s32 $0xFFFFEC00  }
0x3e: {  	[spmem:s18] =	stream.linear.scatter [tilespmem:s26], [sflag:$0xB], $0x1400, $0x38;
	[tilespmem:$0x1F400] =	vst v63  }
0x3f: {  	_ =	swait.ge [sflag:s28], $0x1400  }
0x40: {  	[sflag:s28] =	ssyncset.done $0x0  }
0x41: {  	s20 =	rddreg [dreg:$0xa];
	[sflag:s28] =	ssyncadd.s32 $0xFFFFEC00  }
0x42: {  	[spmem:s20] =	stream.linear.scatter [tilespmem:s26], [sflag:$0xB], $0x1400, $0x38;
	[tilespmem:$0x1F400] =	vst v63  }
0x43: {  	_ =	swait.ge [sflag:s28], $0x1400  }
0x44: {  	[sflag:s28] =	ssyncset.done $0x0  }
0x45: {  	s22 =	rddreg [dreg:$0xb];
	[sflag:s28] =	ssyncadd.s32 $0xFFFFEC00  }
0x46: {  	[spmem:s22] =	stream.linear.scatter [tilespmem:s26], [sflag:$0xB], $0x1400, $0x38;
	[tilespmem:$0x1F400] =	vst v63  }
0x47: {  	_ =	swait.ge [sflag:s28], $0x1400  }
0x48: {  	[sflag:s28] =	ssyncset.done $0x0  }
0x49: {  	s25 =	rddreg [dreg:$0xc];
	[sflag:s28] =	ssyncadd.s32 $0xFFFFEC00  }
0x4a: {  	[spmem:s25] =	stream.linear.scatter [tilespmem:s26], [sflag:$0xB], $0x1400, $0x38;
	[tilespmem:$0x1F400] =	vst v63  }
0x4b: {  	_ =	swait.ge [sflag:s28], $0x1400  }
0x4c: {  	[sflag:s28] =	ssyncset.done $0x0  }
0x4d: {  	s18 =	rddreg [dreg:$0xd];
	[sflag:s28] =	ssyncadd.s32 $0xFFFFEC00  }
0x4e: {  	[spmem:s18] =	stream.linear.scatter [tilespmem:s26], [sflag:$0xB], $0x1400, $0x38;
	[tilespmem:$0x1F400] =	vst v63  }
0x4f: {  	_ =	swait.ge [sflag:s28], $0x1400  }
0x50: {  	[sflag:s28] =	ssyncset.done $0x0  }
0x51: {  	s20 =	rddreg [dreg:$0xe];
	[sflag:s28] =	ssyncadd.s32 $0xFFFFEC00  }
0x52: {  	[spmem:s20] =	stream.linear.scatter [tilespmem:s26], [sflag:$0xB], $0x1400, $0x38;
	[tilespmem:$0x1F400] =	vst v63  }
0x53: {  	_ =	swait.ge [sflag:s28], $0x1400  }
0x54: {  	[sflag:s28] =	ssyncset.done $0x0  }
0x55: {  	s22 =	rddreg [dreg:$0xf];
	[sflag:s28] =	ssyncadd.s32 $0xFFFFEC00  }
0x56: {  	[spmem:s22] =	stream.linear.scatter [tilespmem:s26], [sflag:$0xB], $0x1400, $0x38;
	[tilespmem:$0x1F400] =	vst v63  }
0x57: {  	_ =	swait.ge [sflag:s28], $0x1400  }
0x58: {  	[sflag:s28] =	ssyncset.done $0x0  }
0x59: {  	s25 =	rddreg [dreg:$0x10];
	[sflag:s28] =	ssyncadd.s32 $0xFFFFEC00  }
0x5a: {  	[spmem:s25] =	stream.linear.scatter [tilespmem:s26], [sflag:$0xB], $0x1400, $0x38;
	[tilespmem:$0x1F400] =	vst v63  }
0x5b: {  	_ =	swait.ge [sflag:s28], $0x1400  }
0x5c: {  	[sflag:s28] =	ssyncset.done $0x0  }
0x5d: {  	s18 =	rddreg [dreg:$0x11];
	[sflag:s28] =	ssyncadd.s32 $0xFFFFEC00  }
0x5e: {  	[spmem:s18] =	stream.linear.scatter [tilespmem:s26], [sflag:$0xB], $0x1400, $0x38;
	[tilespmem:$0x1F400] =	vst v63  }
0x5f: {  	_ =	swait.ge [sflag:s28], $0x1400  }
0x60: {  	[sflag:s28] =	ssyncset.done $0x0  }
0x61: {  	s20 =	rddreg [dreg:$0x12];
	[sflag:s28] =	ssyncadd.s32 $0xFFFFEC00  }
0x62: {  	[spmem:s20] =	stream.linear.scatter [tilespmem:s26], [sflag:$0xB], $0x1400, $0x38;
	[tilespmem:$0x1F400] =	vst v63  }
0x63: {  	_ =	swait.ge [sflag:s28], $0x1400  }
0x64: {  	[sflag:s28] =	ssyncset.done $0x0  }
0x65: {  	s22 =	rddreg [dreg:$0x13];
	[sflag:s28] =	ssyncadd.s32 $0xFFFFEC00  }
0x66: {  	[spmem:s22] =	stream.linear.scatter [tilespmem:s26], [sflag:$0xB], $0x1400, $0x38;
	[tilespmem:$0x1F400] =	vst v63  }
0x67: {  	_ =	swait.ge [sflag:s28], $0x1400  }
0x68: {  	[sflag:s28] =	ssyncset.done $0x0  }
.Ltmp2:
0x69: {  	s25 =	rddreg [dreg:$0x15];
	[sflag:s28] =	ssyncadd.s32 $0xFFFFEC00;
	(pc) =	sbr.rel .LBB2_6-.Ltmp2, $4  }
0x6a: {  	[spmem:s25] =	stream.linear.scatter [tilespmem:s26], [sflag:$0xB], $0x1400, $0x38;
	[tilespmem:$0x1F400] =	vst v63  }
0x6b: {  	_ =	swait.ge [sflag:s28], $0x1400  }
0x6c: {  	[sflag:s28] =	ssyncset.done $0x0  }
0x6d: {  	[sflag:s28] =	ssyncadd.s32 $0xFFFFEC00  }
.LBB2_2:
0x6e: {  	s16 =	stileid.u32  }
0x6f: {  	s16 =	sshll.u32 s16, $0x6  }
0x70: {  	s18 =	sshrl.u32 s25, $0x3;
	s20 =	rddreg [dreg:$0x4];
	s16 =	sor.u32 $0x1C0B, s16  }
0x71: {  	[spmem:s18], [sflag:s16] =	dma.local [hbm:s20], $0x2800  }
0x72: {  	_ =	swait.ge [sflag:s28], $0x2800  }
0x73: {  	[sflag:s28] =	ssyncset.done $0x0  }
0x74: {  	[sflag:s28] =	ssyncadd.s32 $0xFFFFD800  }
.LBB2_6:
0x75: {  	[bflag:$0x0] =	sbarrier.arrive $0xFFFF;
	s16 =	simm.s32 $0x0;
	s18 =	simm.s32 $0x0  }
.LBB2_7:
0x76: {  	s20 =	smul.u32 $0x280, s18;
	_ =	sdelay $0x1  }
0x77: {  	s22 =	sadd.s32 s20, s7  }
0x78: {  	[tilespmem:s16], [sflag:$0xB] =	stream.linear.gather [hbm4b:s22+s16], $0x1400, $0x38;
	[tilespmem:$0x1F400] =	vst v63  }
0x79: {  	_ =	swait.ge [sflag:s28], $0x1400  }
0x7a: {  	[sflag:s28] =	ssyncset.done $0x0  }
0x7b: {  	s20 =	sadd.s32 s20, s8;
	[sflag:s28] =	ssyncadd.s32 $0xFFFFEC00  }
0x7c: {  	[tilespmem:s29], [sflag:$0xB] =	stream.linear.gather [hbm4b:s20+s16], $0x1400, $0x38;
	[tilespmem:$0x1F400] =	vst v63  }
0x7d: {  	_ =	swait.ge [sflag:s28], $0x1400  }
0x7e: {  	[sflag:s28] =	ssyncset.done $0x0  }
0x7f: {  	[sflag:s28] =	ssyncadd.s32 $0xFFFFEC00  }
0x80: {  	[tilespmem:s26], [sflag:$0x1] =	stream.indirect.gather [hbm4b:s4+s30], $0x80, s16, s30, $0xb8;
	[tilespmem:$0x1F400] =	vst v63  }
0x81: {  	s22 =	simm.s32 $0x80  }
0x82: {  	[tilespmem:s1], [sflag:$0x2] =	stream.indirect.gather [hbm4b:s4+s30], $0x80, s22, s30, $0xb8;
	[tilespmem:$0x1F400] =	vst v63  }
0x83: {  	s25 =	simm.s32 $0x100  }
0x84: {  	[tilespmem:s6], [sflag:$0x3] =	stream.indirect.gather [hbm4b:s4+s30], $0x80, s25, s30, $0xb8;
	[tilespmem:$0x1F400] =	vst v63  }
0x85: {  	s22 =	simm.s32 $0x180  }
0x86: {  	[tilespmem:s11], [sflag:$0x4] =	stream.indirect.gather [hbm4b:s4+s30], $0x80, s22, s30, $0xb8;
	[tilespmem:$0x1F400] =	vst v63  }
0x87: {  	_ =	swait.ge [sflag:s12], $0x1900  }
0x88: {  	[sflag:s12] =	ssyncset.done $0x0  }
0x89: {  	[sflag:s12] =	ssyncadd.s32 $0xFFFFE700  }
0x8a: {  	[spmem:s2] =	stream.indirect.scatter.add.f32 [tilespmem:s26], [sflag:$0x6], $0x80, s29, s30, $0xb8;
	[tilespmem:$0x1F400] =	vst v63  }
0x8b: {  	s25 =	simm.s32 $0x200  }
0x8c: {  	[tilespmem:s14], [sflag:$0x5] =	stream.indirect.gather [hbm4b:s4+s30], $0x80, s25, s30, $0xb8;
	[tilespmem:$0x1F400] =	vst v63  }
0x8d: {  	_ =	swait.ge [sflag:s15], $0x1900  }
0x8e: {  	[sflag:s15] =	ssyncset.done $0x0  }
0x8f: {  	s22 =	simm.s32 $0x1480;
	[sflag:s15] =	ssyncadd.s32 $0xFFFFE700  }
0x90: {  	[spmem:s2] =	stream.indirect.scatter.add.f32 [tilespmem:s1], [sflag:$0x7], $0x80, s22, s30, $0xb8;
	[tilespmem:$0x1F400] =	vst v63  }
0x91: {  	_ =	swait.ge [sflag:s17], $0x1900  }
0x92: {  	[sflag:s17] =	ssyncset.done $0x0  }
0x93: {  	s25 =	simm.s32 $0x280;
	[sflag:s17] =	ssyncadd.s32 $0xFFFFE700  }
0x94: {  	[tilespmem:s26], [sflag:$0x1] =	stream.indirect.gather [hbm4b:s4+s30], $0x80, s25, s30, $0xb8;
	[tilespmem:$0x1F400] =	vst v63  }
0x95: {  	_ =	swait.ge [sflag:s19], $0x1900  }
0x96: {  	[sflag:s19] =	ssyncset.done $0x0  }
0x97: {  	s22 =	simm.s32 $0x1500;
	[sflag:s19] =	ssyncadd.s32 $0xFFFFE700  }
0x98: {  	[spmem:s2] =	stream.indirect.scatter.add.f32 [tilespmem:s6], [sflag:$0x8], $0x80, s22, s30, $0xb8;
	[tilespmem:$0x1F400] =	vst v63  }
0x99: {  	_ =	swait.ge [sflag:s21], $0x1900  }
0x9a: {  	[sflag:s21] =	ssyncset.done $0x0  }
0x9b: {  	s25 =	simm.s32 $0x300;
	[sflag:s21] =	ssyncadd.s32 $0xFFFFE700  }
0x9c: {  	[tilespmem:s1], [sflag:$0x2] =	stream.indirect.gather [hbm4b:s4+s30], $0x80, s25, s30, $0xb8;
	[tilespmem:$0x1F400] =	vst v63  }
0x9d: {  	_ =	swait.ge [sflag:s23], $0x1900  }
0x9e: {  	[sflag:s23] =	ssyncset.done $0x0  }
0x9f: {  	s22 =	simm.s32 $0x1580;
	[sflag:s23] =	ssyncadd.s32 $0xFFFFE700  }
0xa0: {  	[spmem:s2] =	stream.indirect.scatter.add.f32 [tilespmem:s11], [sflag:$0x9], $0x80, s22, s30, $0xb8;
	[tilespmem:$0x1F400] =	vst v63  }
0xa1: {  	_ =	swait.ge [sflag:s0], $0x1900  }
0xa2: {  	[sflag:s0] =	ssyncset.done $0x0  }
0xa3: {  	[sflag:s0] =	ssyncadd.s32 $0xFFFFE700  }
0xa4: {  	[tilespmem:s6], [sflag:$0x3] =	stream.indirect.gather [hbm4b:s4+s30], $0x80, s9, s30, $0xb8;
	[tilespmem:$0x1F400] =	vst v63  }
0xa5: {  	_ =	swait.ge [sflag:s24], $0x1900  }
0xa6: {  	[sflag:s24] =	ssyncset.done $0x0  }
0xa7: {  	[sflag:s24] =	ssyncadd.s32 $0xFFFFE700  }
0xa8: {  	[spmem:s2] =	stream.indirect.scatter.add.f32 [tilespmem:s14], [sflag:$0xA], $0x80, s5, s30, $0xb8;
	[tilespmem:$0x1F400] =	vst v63  }
0xa9: {  	_ =	swait.ge [sflag:s31], $0x1900  }
0xaa: {  	[sflag:s31] =	ssyncset.done $0x0  }
0xab: {  	s25 =	simm.s32 $0x400;
	[sflag:s31] =	ssyncadd.s32 $0xFFFFE700  }
0xac: {  	[tilespmem:s11], [sflag:$0x4] =	stream.indirect.gather [hbm4b:s4+s30], $0x80, s25, s30, $0xb8;
	[tilespmem:$0x1F400] =	vst v63  }
0xad: {  	_ =	swait.ge [sflag:s12], $0x1900  }
0xae: {  	[sflag:s12] =	ssyncset.done $0x0  }
0xaf: {  	s22 =	simm.s32 $0x1680;
	[sflag:s12] =	ssyncadd.s32 $0xFFFFE700  }
0xb0: {  	[spmem:s2] =	stream.indirect.scatter.add.f32 [tilespmem:s26], [sflag:$0x6], $0x80, s22, s30, $0xb8;
	[tilespmem:$0x1F400] =	vst v63  }
0xb1: {  	_ =	swait.ge [sflag:s3], $0x1900  }
0xb2: {  	[sflag:s3] =	ssyncset.done $0x0  }
0xb3: {  	s25 =	simm.s32 $0x480;
	[sflag:s3] =	ssyncadd.s32 $0xFFFFE700  }
0xb4: {  	[tilespmem:s14], [sflag:$0x5] =	stream.indirect.gather [hbm4b:s4+s30], $0x80, s25, s30, $0xb8;
	[tilespmem:$0x1F400] =	vst v63  }
0xb5: {  	_ =	swait.ge [sflag:s15], $0x1900  }
0xb6: {  	[sflag:s15] =	ssyncset.done $0x0  }
0xb7: {  	s22 =	simm.s32 $0x1700;
	[sflag:s15] =	ssyncadd.s32 $0xFFFFE700  }
0xb8: {  	[spmem:s2] =	stream.indirect.scatter.add.f32 [tilespmem:s1], [sflag:$0x7], $0x80, s22, s30, $0xb8;
	[tilespmem:$0x1F400] =	vst v63  }
0xb9: {  	_ =	swait.ge [sflag:s17], $0x1900  }
0xba: {  	[sflag:s17] =	ssyncset.done $0x0  }
0xbb: {  	s25 =	simm.s32 $0x500;
	[sflag:s17] =	ssyncadd.s32 $0xFFFFE700  }
0xbc: {  	[tilespmem:s26], [sflag:$0x1] =	stream.indirect.gather [hbm4b:s4+s30], $0x80, s25, s30, $0xb8;
	[tilespmem:$0x1F400] =	vst v63  }
0xbd: {  	_ =	swait.ge [sflag:s19], $0x1900  }
0xbe: {  	[sflag:s19] =	ssyncset.done $0x0  }
0xbf: {  	s22 =	simm.s32 $0x1780;
	[sflag:s19] =	ssyncadd.s32 $0xFFFFE700  }
0xc0: {  	[spmem:s2] =	stream.indirect.scatter.add.f32 [tilespmem:s6], [sflag:$0x8], $0x80, s22, s30, $0xb8;
	[tilespmem:$0x1F400] =	vst v63  }
0xc1: {  	_ =	swait.ge [sflag:s21], $0x1900  }
0xc2: {  	[sflag:s21] =	ssyncset.done $0x0  }
0xc3: {  	s25 =	simm.s32 $0x580;
	[sflag:s21] =	ssyncadd.s32 $0xFFFFE700  }
0xc4: {  	[tilespmem:s1], [sflag:$0x2] =	stream.indirect.gather [hbm4b:s4+s30], $0x80, s25, s30, $0xb8;
	[tilespmem:$0x1F400] =	vst v63  }
0xc5: {  	_ =	swait.ge [sflag:s23], $0x1900  }
0xc6: {  	[sflag:s23] =	ssyncset.done $0x0  }
0xc7: {  	s22 =	simm.s32 $0x1800;
	[sflag:s23] =	ssyncadd.s32 $0xFFFFE700  }
0xc8: {  	[spmem:s2] =	stream.indirect.scatter.add.f32 [tilespmem:s11], [sflag:$0x9], $0x80, s22, s30, $0xb8;
	[tilespmem:$0x1F400] =	vst v63  }
0xc9: {  	_ =	swait.ge [sflag:s0], $0x1900  }
0xca: {  	[sflag:s0] =	ssyncset.done $0x0  }
0xcb: {  	s25 =	simm.s32 $0x600;
	[sflag:s0] =	ssyncadd.s32 $0xFFFFE700  }
0xcc: {  	[tilespmem:s6], [sflag:$0x3] =	stream.indirect.gather [hbm4b:s4+s30], $0x80, s25, s30, $0xb8;
	[tilespmem:$0x1F400] =	vst v63  }
0xcd: {  	_ =	swait.ge [sflag:s24], $0x1900  }
0xce: {  	[sflag:s24] =	ssyncset.done $0x0  }
0xcf: {  	s20 =	simm.s32 $0xA00;
	s22 =	simm.s32 $0x1880;
	[sflag:s24] =	ssyncadd.s32 $0xFFFFE700  }
.LBB2_8:
0xd0: {  	[spmem:s2] =	stream.indirect.scatter.add.f32 [tilespmem:s14], [sflag:$0xA], $0x80, s22, s30, $0xb8;
	[tilespmem:$0x1F400] =	vst v63  }
0xd1: {  	s22 =	smov.u32 s20;
	s20 =	sadd.s32 $0xA00, s20;
	_ =	swait.ge [sflag:s31], $0x1900  }
0xd2: {  	s22 =	sshra.s32 s22, $0x2;
	p1 =	sne.s32 s20, $0x3C00;
	[sflag:s31] =	ssyncset.done $0x0  }
0xd3: {  	s25 =	sadd.s32 $0x400, s22;
	[sflag:s31] =	ssyncadd.s32 $0xFFFFE700  }
0xd4: {  	[tilespmem:s11], [sflag:$0x4] =	stream.indirect.gather [hbm4b:s4+s30], $0x80, s25, s30, $0xb8;
	[tilespmem:$0x1F400] =	vst v63  }
0xd5: {  	_ =	swait.ge [sflag:s12], $0x1900  }
0xd6: {  	[sflag:s12] =	ssyncset.done $0x0  }
0xd7: {  	s25 =	sadd.s32 $0x1680, s22;
	[sflag:s12] =	ssyncadd.s32 $0xFFFFE700  }
0xd8: {  	[spmem:s2] =	stream.indirect.scatter.add.f32 [tilespmem:s26], [sflag:$0x6], $0x80, s25, s30, $0xb8;
	[tilespmem:$0x1F400] =	vst v63  }
0xd9: {  	_ =	swait.ge [sflag:s3], $0x1900  }
0xda: {  	[sflag:s3] =	ssyncset.done $0x0  }
0xdb: {  	s25 =	sadd.s32 $0x480, s22;
	[sflag:s3] =	ssyncadd.s32 $0xFFFFE700  }
0xdc: {  	[tilespmem:s14], [sflag:$0x5] =	stream.indirect.gather [hbm4b:s4+s30], $0x80, s25, s30, $0xb8;
	[tilespmem:$0x1F400] =	vst v63  }
0xdd: {  	_ =	swait.ge [sflag:s15], $0x1900  }
0xde: {  	[sflag:s15] =	ssyncset.done $0x0  }
0xdf: {  	s25 =	sadd.s32 $0x1700, s22;
	[sflag:s15] =	ssyncadd.s32 $0xFFFFE700  }
0xe0: {  	[spmem:s2] =	stream.indirect.scatter.add.f32 [tilespmem:s1], [sflag:$0x7], $0x80, s25, s30, $0xb8;
	[tilespmem:$0x1F400] =	vst v63  }
0xe1: {  	_ =	swait.ge [sflag:s17], $0x1900  }
0xe2: {  	[sflag:s17] =	ssyncset.done $0x0  }
0xe3: {  	s25 =	sadd.s32 $0x500, s22;
	[sflag:s17] =	ssyncadd.s32 $0xFFFFE700  }
0xe4: {  	[tilespmem:s26], [sflag:$0x1] =	stream.indirect.gather [hbm4b:s4+s30], $0x80, s25, s30, $0xb8;
	[tilespmem:$0x1F400] =	vst v63  }
0xe5: {  	_ =	swait.ge [sflag:s19], $0x1900  }
0xe6: {  	[sflag:s19] =	ssyncset.done $0x0  }
0xe7: {  	s25 =	sadd.s32 $0x1780, s22;
	[sflag:s19] =	ssyncadd.s32 $0xFFFFE700  }
0xe8: {  	[spmem:s2] =	stream.indirect.scatter.add.f32 [tilespmem:s6], [sflag:$0x8], $0x80, s25, s30, $0xb8;
	[tilespmem:$0x1F400] =	vst v63  }
0xe9: {  	_ =	swait.ge [sflag:s21], $0x1900  }
0xea: {  	[sflag:s21] =	ssyncset.done $0x0  }
0xeb: {  	s25 =	sadd.s32 $0x580, s22;
	[sflag:s21] =	ssyncadd.s32 $0xFFFFE700  }
0xec: {  	[tilespmem:s1], [sflag:$0x2] =	stream.indirect.gather [hbm4b:s4+s30], $0x80, s25, s30, $0xb8;
	[tilespmem:$0x1F400] =	vst v63  }
0xed: {  	_ =	swait.ge [sflag:s23], $0x1900  }
0xee: {  	[sflag:s23] =	ssyncset.done $0x0  }
0xef: {  	s25 =	sadd.s32 $0x1800, s22;
	[sflag:s23] =	ssyncadd.s32 $0xFFFFE700  }
0xf0: {  	[spmem:s2] =	stream.indirect.scatter.add.f32 [tilespmem:s11], [sflag:$0x9], $0x80, s25, s30, $0xb8;
	[tilespmem:$0x1F400] =	vst v63  }
0xf1: {  	_ =	swait.ge [sflag:s0], $0x1900  }
0xf2: {  	[sflag:s0] =	ssyncset.done $0x0  }
.Ltmp3:
0xf3: {  	s25 =	sadd.s32 $0x600, s22;
	[sflag:s0] =	ssyncadd.s32 $0xFFFFE700;
	(pc) =	sbr.rel @p1 .LBB2_8-.Ltmp3, $4  }
0xf4: {  	[tilespmem:s6], [sflag:$0x3] =	stream.indirect.gather [hbm4b:s4+s30], $0x80, s25, s30, $0xb8;
	[tilespmem:$0x1F400] =	vst v63  }
0xf5: {  	_ =	swait.ge [sflag:s24], $0x1900  }
0xf6: {  	[sflag:s24] =	ssyncset.done $0x0  }
0xf7: {  	s22 =	sadd.s32 $0x1880, s22;
	[sflag:s24] =	ssyncadd.s32 $0xFFFFE700  }
0xf8: {  	[spmem:s2] =	stream.indirect.scatter.add.f32 [tilespmem:s14], [sflag:$0xA], $0x80, s22, s30, $0xb8;
	[tilespmem:$0x1F400] =	vst v63  }
0xf9: {  	_ =	swait.ge [sflag:s31], $0x1900  }
0xfa: {  	s20 =	sshra.s32 s20, $0x2;
	[sflag:s31] =	ssyncset.done $0x0  }
0xfb: {  	s25 =	sadd.s32 $0x400, s20;
	[sflag:s31] =	ssyncadd.s32 $0xFFFFE700  }
0xfc: {  	[tilespmem:s11], [sflag:$0x4] =	stream.indirect.gather [hbm4b:s4+s30], $0x80, s25, s30, $0xb8;
	[tilespmem:$0x1F400] =	vst v63  }
0xfd: {  	_ =	swait.ge [sflag:s12], $0x1900  }
0xfe: {  	[sflag:s12] =	ssyncset.done $0x0  }
0xff: {  	s25 =	sadd.s32 $0x1680, s20;
	[sflag:s12] =	ssyncadd.s32 $0xFFFFE700  }
0x100: {  	[spmem:s2] =	stream.indirect.scatter.add.f32 [tilespmem:s26], [sflag:$0x6], $0x80, s25, s30, $0xb8;
	[tilespmem:$0x1F400] =	vst v63  }
0x101: {  	_ =	swait.ge [sflag:s3], $0x1900  }
0x102: {  	[sflag:s3] =	ssyncset.done $0x0  }
0x103: {  	[sflag:s3] =	ssyncadd.s32 $0xFFFFE700  }
0x104: {  	[tilespmem:s14], [sflag:$0x5] =	stream.indirect.gather [hbm4b:s4+s30], $0x80, s10, s30, $0xb8;
	[tilespmem:$0x1F400] =	vst v63  }
0x105: {  	_ =	swait.ge [sflag:s15], $0x1900  }
0x106: {  	[sflag:s15] =	ssyncset.done $0x0  }
0x107: {  	s25 =	sadd.s32 $0x1700, s20;
	[sflag:s15] =	ssyncadd.s32 $0xFFFFE700  }
0x108: {  	[spmem:s2] =	stream.indirect.scatter.add.f32 [tilespmem:s1], [sflag:$0x7], $0x80, s25, s30, $0xb8;
	[tilespmem:$0x1F400] =	vst v63  }
0x109: {  	_ =	swait.ge [sflag:s17], $0x1900  }
0x10a: {  	[sflag:s17] =	ssyncset.done $0x0  }
0x10b: {  	[sflag:s17] =	ssyncadd.s32 $0xFFFFE700  }
0x10c: {  	_ =	swait.ge [sflag:s19], $0x1900  }
0x10d: {  	[sflag:s19] =	ssyncset.done $0x0  }
0x10e: {  	s25 =	sadd.s32 $0x1780, s20;
	[sflag:s19] =	ssyncadd.s32 $0xFFFFE700  }
0x10f: {  	[spmem:s2] =	stream.indirect.scatter.add.f32 [tilespmem:s6], [sflag:$0x8], $0x80, s25, s30, $0xb8;
	[tilespmem:$0x1F400] =	vst v63  }
0x110: {  	_ =	swait.ge [sflag:s21], $0x1900  }
0x111: {  	[sflag:s21] =	ssyncset.done $0x0  }
0x112: {  	[sflag:s21] =	ssyncadd.s32 $0xFFFFE700  }
0x113: {  	_ =	swait.ge [sflag:s23], $0x1900  }
0x114: {  	[sflag:s23] =	ssyncset.done $0x0  }
0x115: {  	s20 =	sadd.s32 $0x1800, s20;
	[sflag:s23] =	ssyncadd.s32 $0xFFFFE700  }
0x116: {  	[spmem:s2] =	stream.indirect.scatter.add.f32 [tilespmem:s11], [sflag:$0x9], $0x80, s20, s30, $0xb8;
	[tilespmem:$0x1F400] =	vst v63  }
0x117: {  	_ =	swait.ge [sflag:s0], $0x1900  }
0x118: {  	[sflag:s0] =	ssyncset.done $0x0  }
0x119: {  	[sflag:s0] =	ssyncadd.s32 $0xFFFFE700  }
0x11a: {  	_ =	swait.ge [sflag:s24], $0x1900  }
0x11b: {  	[sflag:s24] =	ssyncset.done $0x0  }
0x11c: {  	s18 =	sadd.s32 $0x1, s18;
	[sflag:s24] =	ssyncadd.s32 $0xFFFFE700  }
0x11d: {  	[spmem:s2] =	stream.indirect.scatter.add.f32 [tilespmem:s14], [sflag:$0xA], $0x80, s13, s30, $0xb8;
	[tilespmem:$0x1F400] =	vst v63  }
0x11e: {  	p1 =	sne.s32 s18, $0x5;
	_ =	swait.ge [sflag:s31], $0x1900  }
.Ltmp4:
0x11f: {  	[sflag:s31] =	ssyncset.done $0x0;
	(pc) =	sbr.rel @p1 .LBB2_7-.Ltmp4, $4  }
0x120: {  	[sflag:s31] =	ssyncadd.s32 $0xFFFFE700  }
0x121: {  	_ =	swait.ge [sflag:s3], $0x1900  }
0x122: {  	[sflag:s3] =	ssyncset.done $0x0  }
0x123: {  	[sflag:s3] =	ssyncadd.s32 $0xFFFFE700  }
0x124: {  	s16 =	stileid.u32;
	[bflag:$0x0] =	sbarrier.arrive $0xFFFF  }
0x125: {  	s16 =	sshll.u32 s16, $0x6;
	s25 =	rddreg [dreg:$0x3]  }
0x126: {  	s20 =	rddreg [dreg:$0x14];
	s16 =	sor.u32 $0x1C0B, s16;
	s18 =	sshrl.u32 s25, $0x3  }
0x127: {  	[hbm:s20], [sflag:s16] =	dma.local [spmem:s18], $0x2800  }
0x128: {  	_ =	swait.ge [sflag:s28], $0x2800  }
0x129: {  	s20 =	rddreg [dreg:$0x16]  }
0x12a: {  	s22 =	rddreg [dreg:$0x5];
	s18 =	sadd.s32 $0x1, s20  }
0x12b: {  	p1 =	sne.s32 s18, s22  }
.Ltmp5:
0x12c: {  	_ = 	snop;
	(pc) =	sbr.rel @p1 .LBB2_1-.Ltmp5, $3  }
0x12d: {  	_ =	sdelay $0x1  }
0x12e: {  	[sflag:s28] =	ssyncset.done $0x0  }
0x12f: {  	[sflag:s28] =	ssyncadd.s32 $0xFFFFD800  }
0x130: {  	_ =	sfence.sel $0x180000  }
0x131: {  	[bflag:$0x0] =	sbarrier.arrive $0xFFFF  }
0x132: {  	_ =	strace $0x9000004A  }
0x133: {  	s0 =	stileid.u32;
	[bflag:$0x2] =	sbarrier.arrive $0xFFFF  }
0x134: {  	p0 =	sne.s32 s0, $0x0;
	s0 =	rddreg [dreg:$0x2]  }
0x135: {  	s0 =	sadd.s32 @!p0 $0x100000, s0  }
0x136: {  	[sflag:s0] =	ssyncadd.tile.s32 @!p0 $0x1;
	_ =	shalt  }
.Lfunc_end2:
_tile_overlayer_lowered:
.L_overlay_start_2:
0x137: {  	(tag) =	ssettag $0x2  }
0x138: {  	s0 =	rddreg [dreg:$0x0];
	s2 =	stileid.u32  }
0x139: {  	s1 =	rddreg [dreg:$0x1];
	p0 =	sne.s32 s2, $0x0  }
0x13a: {  	s3 =	rddreg [dreg:$0x2];
	[bflag:$0x3] =	sbarrier.arrive $0xFFFF;
	s2 =	simm.s32 @!p0 $0x1C0B  }
0x13b: {  	[timem:s3], [sflag:s2] =	dma.local @!p0 [hbm:s0], s1  }
0x13c: {  	s0 =	simm.s32 @!p0 $0xB  }
0x13d: {  	_ =	swait.ge @!p0 [sflag:s0], s1  }
0x13e: {  	s1 =	ssub.s32 @!p0 $0x0, s1;
	[sflag:s0] =	ssyncset.done @!p0 $0x0  }
0x13f: {  	[sflag:s0] =	ssyncadd.s32 @!p0 s1  }
0x140: {  	[bflag:$0x3] =	sbarrier.arrive $0xFFFF  }
0x141: {  	_ =	shalt  }

</sc_bundles>
